<compile_context>
chip_gen: v7x
topology: tpu7x:2x2x1
jax: 0.10.2.dev20260603
libtpu: 0.0.44.dev20260713+nightly
codegen_flags: <defaults>
</compile_context>

<pallas_src>
import functools

import jax
import jax.numpy as jnp
import numpy as np
from jax import lax
from jax.experimental import pallas as pl
from jax.experimental.pallas import tpu as pltpu
from jax.experimental.pallas import tpu_sc as plsc

B, N, CD, R = 4, 131072, 32, 256
HW = R * R
TOT = B * N
NW = 32
PTS = TOT // NW
TILES_PER_BATCH = N // PTS

INV_SCALE = np.float32(1.0 / (1.0 + 0.1 + 10e-4))
K1 = np.float32(INV_SCALE * np.float32(R - 1))
K2 = np.float32(0.5 * (R - 1))
GMAX = np.float32(np.float32(1.0 - 10e-6) * np.float32(R - 1))
MASKHI = np.int32(-65536)


YR = 128


def _contract_body(w_ref, x0_ref, x1_ref, x2_ref, o0_ref, o1_ref, o2_ref):
    for x_ref, o_ref in ((x0_ref, o0_ref), (x1_ref, o1_ref), (x2_ref, o2_ref)):
        xs = x_ref[0]
        s = w_ref[0, 0] * xs[0]
        for c in range(1, CD):
            s = s + w_ref[0, c] * xs[c]
        nxt = jnp.concatenate([s[:, 1:], s[:, -1:]], axis=1)
        lo = lax.bitcast_convert_type(
            s.astype(jnp.bfloat16), jnp.uint16).astype(jnp.uint32)
        hi = lax.bitcast_convert_type(
            nxt.astype(jnp.bfloat16), jnp.uint16).astype(jnp.uint32)
        packed = lax.bitcast_convert_type(
            lo | (hi << jnp.uint32(16)), jnp.int32)
        o_ref[...] = packed.reshape(o_ref.shape)


def _contract_planes(w32, xz, xy, yz):
    grid = (B, R // YR)
    x_spec = pl.BlockSpec((1, CD, YR, R), lambda bi, j: (bi, 0, j, 0))
    o_spec = pl.BlockSpec((1, 1, YR * R), lambda bi, j: (bi, 0, j))
    return pl.pallas_call(
        _contract_body,
        grid=grid,
        in_specs=[pl.BlockSpec(memory_space=pltpu.MemorySpace.SMEM),
                  x_spec, x_spec, x_spec],
        out_specs=[o_spec, o_spec, o_spec],
        out_shape=[jax.ShapeDtypeStruct((B, 1, HW), jnp.int32)] * 3,
    )(w32, xz, xy, yz)


def _grid_coord(q):
    g = q * K1 + K2
    g = jnp.minimum(g, GMAX)
    g = jnp.maximum(g, np.float32(0.0))
    xi = g.astype(jnp.int32)
    return xi, g - xi.astype(jnp.float32)


def _sc_sample(sxz, sxy, syz, pt, head_hbm, out,
               plane_buf, ca, cb, acc, head_buf):
    nc = 2
    wid = lax.axis_index("s") * nc + lax.axis_index("c")
    base = wid * PTS
    b = wid // TILES_PER_BATCH
    pltpu.sync_copy(head_hbm, head_buf)
    pltpu.sync_copy(pt.at[pl.ds(0 * TOT + base, PTS)], ca)
    pltpu.sync_copy(pt.at[pl.ds(2 * TOT + base, PTS)], cb)
    cfg = (
        (sxz, None, ca, 0, cb, 2),
        (sxy, (cb, 1), ca, 0, cb, 1),
        (syz, (ca, 2), cb, 1, ca, 2),
    )
    for pi, (sref, newload, xbuf, dx, ybuf, dy) in enumerate(cfg):
        if newload is not None:
            dst, coord = newload
            pltpu.sync_copy(pt.at[pl.ds(coord * TOT + base, PTS)], dst)
        pltpu.sync_copy(sref.at[pl.ds(b * HW, HW)], plane_buf)
        wx_h = head_buf[dx]
        wy_h = head_buf[dy]
        wbias = head_buf[3]

        @plsc.parallel_loop(0, PTS // 16, unroll=4)
        def _(i, pi=pi, xbuf=xbuf, ybuf=ybuf,
              wx_h=wx_h, wy_h=wy_h, wbias=wbias):
            sl = pl.ds(i * 16, 16)
            px = xbuf[sl]
            py = ybuf[sl]
            xa, fx = _grid_coord(px)
            ya, fy = _grid_coord(py)
            idx = ya * R + xa
            w0 = plsc.load_gather(plane_buf, [idx])
            w1 = plsc.load_gather(plane_buf, [idx + R])
            s00 = plsc.bitcast(lax.shift_left(w0, 16), jnp.float32)
            s01 = plsc.bitcast(lax.bitwise_and(w0, MASKHI), jnp.float32)
            s10 = plsc.bitcast(lax.shift_left(w1, 16), jnp.float32)
            s11 = plsc.bitcast(lax.bitwise_and(w1, MASKHI), jnp.float32)
            top = s00 + fx * (s01 - s00)
            bot = s10 + fx * (s11 - s10)
            val = top + fy * (bot - top)
            val = val + wx_h * px + wy_h * py
            if pi == 0:
                acc[sl] = val + wbias
            else:
                acc[sl] += val

    pltpu.sync_copy(acc, out.at[pl.ds(base, PTS)])


_sc_sample_call = functools.partial(
    pl.kernel,
    out_type=jax.ShapeDtypeStruct((TOT,), jnp.float32),
    mesh=plsc.VectorSubcoreMesh(core_axis_name="c", subcore_axis_name="s"),
    scratch_types=[
        pltpu.VMEM((HW,), jnp.int32),
        pltpu.VMEM((PTS,), jnp.float32),
        pltpu.VMEM((PTS,), jnp.float32),
        pltpu.VMEM((PTS,), jnp.float32),
        pltpu.VMEM((4, 16), jnp.float32),
    ],
    compiler_params=pltpu.CompilerParams(needs_layout_passes=False),
)(_sc_sample)


@jax.jit
def kernel(p, c_plane_xz, c_plane_xy, c_plane_yz, fc_w, fc_b):
    w32 = fc_w[:, :CD]
    s_xz, s_xy, s_yz = _contract_planes(
        w32, c_plane_xz, c_plane_xy, c_plane_yz)
    pt = jnp.transpose(p.reshape(TOT, 3)).reshape(3 * TOT)
    head_vals = jnp.concatenate([fc_w[0, CD:CD + 3] * 0.5, fc_b])
    head = jnp.broadcast_to(head_vals[:, None], (4, 16))
    out = _sc_sample_call(
        s_xz.reshape(B * HW), s_xy.reshape(B * HW), s_yz.reshape(B * HW),
        pt, head)
    return out.reshape(B, N)

# --- scband reference (transcript-rebuilt; emitter-appended) ---
"""Pipeline reference for scband-fcdecoder-11450382812128 (READ-ONLY COPY).

The authoritative reference and input builder live on the scoring server;
editing this copy changes nothing except your own understanding.
"""

import jax, jax.numpy as jnp
import numpy as np

PADDING = 0.1


def normalize_coordinate(p, plane):
    if plane == 'xz':
        xy = jnp.stack([p[..., 0], p[..., 2]], axis=-1)
    elif plane == 'xy':
        xy = jnp.stack([p[..., 0], p[..., 1]], axis=-1)
    else:
        xy = jnp.stack([p[..., 1], p[..., 2]], axis=-1)
    xy_new = xy / (1 + PADDING + 10e-4) + 0.5
    xy_new = jnp.where(xy_new >= 1, 1 - 10e-6, xy_new)
    xy_new = jnp.where(xy_new < 0, 0.0, xy_new)
    return xy_new


def bilinear_sample_border(c, uv):
    # Equivalent to F.grid_sample(c, 2*uv-1, mode='bilinear', padding_mode='border', align_corners=True)
    # c: [B, C, H, W]; uv: [B, N, 2] in [0,1]; uv[...,0] indexes W axis, uv[...,1] indexes H axis
    B, C, H, W = c.shape
    gx = uv[..., 0] * (W - 1)
    gy = uv[..., 1] * (H - 1)
    x0 = jnp.floor(gx)
    y0 = jnp.floor(gy)
    wx = (gx - x0)[:, None, :]
    wy = (gy - y0)[:, None, :]
    x0i = jnp.clip(x0, 0, W - 1).astype(jnp.int32)
    x1i = jnp.clip(x0 + 1, 0, W - 1).astype(jnp.int32)
    y0i = jnp.clip(y0, 0, H - 1).astype(jnp.int32)
    y1i = jnp.clip(y0 + 1, 0, H - 1).astype(jnp.int32)
    cf = c.reshape(B, C, H * W)

    def gather(yi, xi):
        idx = (yi * W + xi)[:, None, :]
        idx = jnp.broadcast_to(idx, (B, C, idx.shape[-1]))
        return jnp.take_along_axis(cf, idx, axis=2)

    v00 = gather(y0i, x0i)
    v01 = gather(y0i, x1i)
    v10 = gather(y1i, x0i)
    v11 = gather(y1i, x1i)
    return (v00 * (1 - wx) * (1 - wy) + v01 * wx * (1 - wy)
            + v10 * (1 - wx) * wy + v11 * wx * wy)


def sample_plane_feature(p, c, plane):
    uv = normalize_coordinate(p, plane)
    return bilinear_sample_border(c, uv)  # [B, C, N]


def setup_inputs(seed: int = 0):
    key = jax.random.key(seed)
    ks = jax.random.split(key, 6)
    B, N, c_dim, R = 4, 131072, 32, 256
    p = jax.random.uniform(ks[0], (B, N, 3), dtype=jnp.float32)
    c_plane_xz = jax.random.normal(ks[1], (B, c_dim, R, R), dtype=jnp.float32)
    c_plane_xy = jax.random.normal(ks[2], (B, c_dim, R, R), dtype=jnp.float32)
    c_plane_yz = jax.random.normal(ks[3], (B, c_dim, R, R), dtype=jnp.float32)
    fc_w = jax.random.normal(ks[4], (1, 3 + c_dim), dtype=jnp.float32) * 0.1
    fc_b = jnp.zeros((1,), dtype=jnp.float32)
    return {"p": p, "c_plane_xz": c_plane_xz, "c_plane_xy": c_plane_xy,
            "c_plane_yz": c_plane_yz, "fc_w": fc_w, "fc_b": fc_b}


def reference(p, c_plane_xz, c_plane_xy, c_plane_yz, fc_w, fc_b):
    c = sample_plane_feature(p, c_plane_xz, 'xz')
    c = c + sample_plane_feature(p, c_plane_xy, 'xy')
    c = c + sample_plane_feature(p, c_plane_yz, 'yz')
    c = jnp.transpose(c, (0, 2, 1))  # [B, N, C]
    h = jnp.concatenate([c, p], axis=2)  # [B, N, C+3]
    out = h @ fc_w.T + fc_b  # [B, N, 1]
    return out[..., 0]

if __name__ == "__main__":
    import jax
    _d = setup_inputs()
    print(jax.jit(kernel)(*tuple(_d.values())))

</pallas_src>

<mosaic_0001>
#map = affine_map<(d0, d1) -> (0)>
#map1 = affine_map<(d0, d1) -> (0, 0)>
module attributes {stable_mosaic.version = 14 : i64} {
  func.func @_sc_sample(%arg0: i32, %arg1: i32, %arg2: memref<262144xi32, #tpu.memory_space<hbm>>, %arg3: memref<262144xi32, #tpu.memory_space<hbm>>, %arg4: memref<262144xi32, #tpu.memory_space<hbm>>, %arg5: memref<1572864xf32, #tpu.memory_space<hbm>>, %arg6: memref<4x16xf32, #tpu.memory_space<hbm>>, %arg7: memref<524288xf32, #tpu.memory_space<hbm>>, %arg8: memref<65536xi32, #tpu.memory_space<vmem>>, %arg9: memref<16384xf32, #tpu.memory_space<vmem>>, %arg10: memref<16384xf32, #tpu.memory_space<vmem>>, %arg11: memref<16384xf32, #tpu.memory_space<vmem>>, %arg12: memref<4x16xf32, #tpu.memory_space<vmem>>) attributes {dimension_semantics = [#tpu.dimension_semantics<core_parallel>, #tpu.dimension_semantics<subcore_parallel>], iteration_bounds = array<i64: 2, 16>, scalar_prefetch = 0 : i64, scratch_operands = 5 : i64, tpu.core_type = #tpu.core_type<sc_vector_subcore>, window_params = [{transform_indices = #map}, {transform_indices = #map}, {transform_indices = #map}, {transform_indices = #map}, {transform_indices = #map1}, {transform_indices = #map}]} {
    %mul3A = arith.constant 2 : i32
    %mul3A_0 = arith.muli %arg1, %mul3A : i32
    %add3A = arith.addi %mul3A_0, %arg0 : i32
    %mul3A_1 = arith.constant 16384 : i32
    %mul3A_2 = arith.muli %add3A, %mul3A_1 : i32
    %jit3A = arith.constant 8 : i32
    %div3A = arith.divsi %add3A, %jit3A : i32
    %sign3A = arith.constant 0 : i32
    %sign3A_3 = arith.cmpi sgt, %add3A, %sign3A : i32
    %sign3A_4 = arith.extui %sign3A_3 : i1 to i32
    %sign3A_5 = arith.constant 0 : i32
    %sign3A_6 = arith.cmpi slt, %add3A, %sign3A_5 : i32
    %sign3A_7 = arith.extui %sign3A_6 : i1 to i32
    %sign3A_8 = arith.subi %sign3A_4, %sign3A_7 : i32
    %sign3A_9 = arith.constant 0 : i32
    %sign3A_10 = arith.cmpi sgt, %jit3A, %sign3A_9 : i32
    %sign3A_11 = arith.extui %sign3A_10 : i1 to i32
    %sign3A_12 = arith.constant 0 : i32
    %sign3A_13 = arith.cmpi slt, %jit3A, %sign3A_12 : i32
    %sign3A_14 = arith.extui %sign3A_13 : i1 to i32
    %sign3A_15 = arith.subi %sign3A_11, %sign3A_14 : i32
    %ne3A = arith.cmpi ne, %sign3A_8, %sign3A_15 : i32
    %rem3A = arith.remsi %add3A, %jit3A : i32
    %ne3A_16 = arith.constant 0 : i32
    %ne3A_17 = arith.cmpi ne, %rem3A, %ne3A_16 : i32
    %and3A = arith.andi %ne3A, %ne3A_17 : i1
    %sub3A = arith.constant 1 : i32
    %sub3A_18 = arith.subi %div3A, %sub3A : i32
    %select_n3A = arith.select %and3A, %sub3A_18, %div3A : i32
    "tpu.region"() ({
      %run_scoped3A = tpu.sem_alloc : memref<!tpu.dma_semaphore, #tpu.memory_space<semaphore_mem>>
      tpu.enqueue_dma source(%arg6 : memref<4x16xf32, #tpu.memory_space<hbm>>) target(%arg12 : memref<4x16xf32, #tpu.memory_space<vmem>>) target_semaphore(%run_scoped3A : memref<!tpu.dma_semaphore, #tpu.memory_space<semaphore_mem>>)
      tpu.wait_dma2 semaphore(%run_scoped3A : memref<!tpu.dma_semaphore, #tpu.memory_space<semaphore_mem>>) src(%arg6 : memref<4x16xf32, #tpu.memory_space<hbm>>) dst(%arg12 : memref<4x16xf32, #tpu.memory_space<vmem>>)
      tpu.yield
    }) : () -> ()
    %add3A_19 = arith.constant 0 : i32
    %add3A_20 = arith.addi %add3A_19, %mul3A_2 : i32
    "tpu.region"() ({
      %run_scoped3A = tpu.sem_alloc : memref<!tpu.dma_semaphore, #tpu.memory_space<semaphore_mem>>
      %dma_start3A = tpu.memref_slice %arg5[%add3A_20] : memref<1572864xf32, #tpu.memory_space<hbm>> -> memref<16384xf32, #tpu.memory_space<hbm>>
      %dma_start3A_76 = tpu.memref_slice %arg5[%add3A_20] : memref<1572864xf32, #tpu.memory_space<hbm>> -> memref<16384xf32, #tpu.memory_space<hbm>>
      tpu.enqueue_dma source(%dma_start3A_76 : memref<16384xf32, #tpu.memory_space<hbm>>) target(%arg9 : memref<16384xf32, #tpu.memory_space<vmem>>) target_semaphore(%run_scoped3A : memref<!tpu.dma_semaphore, #tpu.memory_space<semaphore_mem>>)
      %dma_wait3A = tpu.memref_slice %arg5[%add3A_20] : memref<1572864xf32, #tpu.memory_space<hbm>> -> memref<16384xf32, #tpu.memory_space<hbm>>
      %dma_wait3A_77 = tpu.memref_slice %arg5[%add3A_20] : memref<1572864xf32, #tpu.memory_space<hbm>> -> memref<16384xf32, #tpu.memory_space<hbm>>
      tpu.wait_dma2 semaphore(%run_scoped3A : memref<!tpu.dma_semaphore, #tpu.memory_space<semaphore_mem>>) src(%dma_wait3A_77 : memref<16384xf32, #tpu.memory_space<hbm>>) dst(%arg9 : memref<16384xf32, #tpu.memory_space<vmem>>)
      tpu.yield
    }) : () -> ()
    %add3A_21 = arith.constant 1048576 : i32
    %add3A_22 = arith.addi %add3A_21, %mul3A_2 : i32
    "tpu.region"() ({
      %run_scoped3A = tpu.sem_alloc : memref<!tpu.dma_semaphore, #tpu.memory_space<semaphore_mem>>
      %dma_start3A = tpu.memref_slice %arg5[%add3A_22] : memref<1572864xf32, #tpu.memory_space<hbm>> -> memref<16384xf32, #tpu.memory_space<hbm>>
      %dma_start3A_76 = tpu.memref_slice %arg5[%add3A_22] : memref<1572864xf32, #tpu.memory_space<hbm>> -> memref<16384xf32, #tpu.memory_space<hbm>>
      tpu.enqueue_dma source(%dma_start3A_76 : memref<16384xf32, #tpu.memory_space<hbm>>) target(%arg10 : memref<16384xf32, #tpu.memory_space<vmem>>) target_semaphore(%run_scoped3A : memref<!tpu.dma_semaphore, #tpu.memory_space<semaphore_mem>>)
      %dma_wait3A = tpu.memref_slice %arg5[%add3A_22] : memref<1572864xf32, #tpu.memory_space<hbm>> -> memref<16384xf32, #tpu.memory_space<hbm>>
      %dma_wait3A_77 = tpu.memref_slice %arg5[%add3A_22] : memref<1572864xf32, #tpu.memory_space<hbm>> -> memref<16384xf32, #tpu.memory_space<hbm>>
      tpu.wait_dma2 semaphore(%run_scoped3A : memref<!tpu.dma_semaphore, #tpu.memory_space<semaphore_mem>>) src(%dma_wait3A_77 : memref<16384xf32, #tpu.memory_space<hbm>>) dst(%arg10 : memref<16384xf32, #tpu.memory_space<vmem>>)
      tpu.yield
    }) : () -> ()
    %mul3A_23 = arith.constant 65536 : i32
    %mul3A_24 = arith.muli %select_n3A, %mul3A_23 : i32
    "tpu.region"() ({
      %run_scoped3A = tpu.sem_alloc : memref<!tpu.dma_semaphore, #tpu.memory_space<semaphore_mem>>
      %dma_start3A = tpu.memref_slice %arg2[%mul3A_24] : memref<262144xi32, #tpu.memory_space<hbm>> -> memref<65536xi32, #tpu.memory_space<hbm>>
      %dma_start3A_76 = tpu.memref_slice %arg2[%mul3A_24] : memref<262144xi32, #tpu.memory_space<hbm>> -> memref<65536xi32, #tpu.memory_space<hbm>>
      tpu.enqueue_dma source(%dma_start3A_76 : memref<65536xi32, #tpu.memory_space<hbm>>) target(%arg8 : memref<65536xi32, #tpu.memory_space<vmem>>) target_semaphore(%run_scoped3A : memref<!tpu.dma_semaphore, #tpu.memory_space<semaphore_mem>>)
      %dma_wait3A = tpu.memref_slice %arg2[%mul3A_24] : memref<262144xi32, #tpu.memory_space<hbm>> -> memref<65536xi32, #tpu.memory_space<hbm>>
      %dma_wait3A_77 = tpu.memref_slice %arg2[%mul3A_24] : memref<262144xi32, #tpu.memory_space<hbm>> -> memref<65536xi32, #tpu.memory_space<hbm>>
      tpu.wait_dma2 semaphore(%run_scoped3A : memref<!tpu.dma_semaphore, #tpu.memory_space<semaphore_mem>>) src(%dma_wait3A_77 : memref<65536xi32, #tpu.memory_space<hbm>>) dst(%arg8 : memref<65536xi32, #tpu.memory_space<vmem>>)
      tpu.yield
    }) : () -> ()
    %get3A = arith.constant 0 : i32
    %get3A_25 = arith.index_cast %get3A : i32 to index
    %get3A_26 = arith.constant 0 : index
    %get3A_27 = tpu.vector_load %arg12[%get3A_25, %get3A_26] {strides = array<i32>} : memref<4x16xf32, #tpu.memory_space<vmem>>, vector<16xf32>,
    %get3A_28 = arith.constant 2 : i32
    %get3A_29 = arith.index_cast %get3A_28 : i32 to index
    %get3A_30 = arith.constant 0 : index
    %get3A_31 = tpu.vector_load %arg12[%get3A_29, %get3A_30] {strides = array<i32>} : memref<4x16xf32, #tpu.memory_space<vmem>>, vector<16xf32>,
    %get3A_32 = arith.constant 3 : i32
    %get3A_33 = arith.index_cast %get3A_32 : i32 to index
    %get3A_34 = arith.constant 0 : index
    %get3A_35 = tpu.vector_load %arg12[%get3A_33, %get3A_34] {strides = array<i32>} : memref<4x16xf32, #tpu.memory_space<vmem>>, vector<16xf32>,
    %parallel_loop3A = arith.constant 0 : i32
    %parallel_loop3A_36 = arith.constant 1024 : i32
    %parallel_loop3A_37 = arith.constant 1 : i32
    scf.for %parallel_loop3A_76 = %parallel_loop3A to %parallel_loop3A_36 step %parallel_loop3A_37  : i32 {
      %parallel_loop3A_77 = arith.constant 16 : i32
      %parallel_loop3A_78 = arith.muli %parallel_loop3A_76, %parallel_loop3A_77 : i32
      %parallel_loop3A_79 = arith.index_cast %parallel_loop3A_78 : i32 to index
      %parallel_loop3A_80 = tpu.vector_load %arg9[%parallel_loop3A_79] {strides = array<i32>} : memref<16384xf32, #tpu.memory_space<vmem>>, vector<16xf32>,
      %parallel_loop3A_81 = arith.index_cast %parallel_loop3A_78 : i32 to index
      %parallel_loop3A_82 = tpu.vector_load %arg10[%parallel_loop3A_81] {strides = array<i32>} : memref<16384xf32, #tpu.memory_space<vmem>>, vector<16xf32>,
      %parallel_loop3A_83 = arith.constant 231.607635 : f32
      %parallel_loop3A_84 = vector.broadcast %parallel_loop3A_83 : f32 to vector<16xf32>
      %parallel_loop3A_85 = arith.mulf %parallel_loop3A_80, %parallel_loop3A_84 : vector<16xf32>
      %parallel_loop3A_86 = arith.constant 1.275000e+02 : f32
      %parallel_loop3A_87 = vector.broadcast %parallel_loop3A_86 : f32 to vector<16xf32>
      %parallel_loop3A_88 = arith.addf %parallel_loop3A_85, %parallel_loop3A_87 : vector<16xf32>
      %parallel_loop3A_89 = arith.constant 254.997452 : f32
      %parallel_loop3A_90 = vector.broadcast %parallel_loop3A_89 : f32 to vector<16xf32>
      %parallel_loop3A_91 = arith.minimumf %parallel_loop3A_88, %parallel_loop3A_90 : vector<16xf32>
      %parallel_loop3A_92 = arith.constant 0.000000e+00 : f32
      %parallel_loop3A_93 = vector.broadcast %parallel_loop3A_92 : f32 to vector<16xf32>
      %parallel_loop3A_94 = arith.maximumf %parallel_loop3A_91, %parallel_loop3A_93 : vector<16xf32>
      %parallel_loop3A_95 = arith.fptosi %parallel_loop3A_94 : vector<16xf32> to vector<16xi32>
      %parallel_loop3A_96 = arith.sitofp %parallel_loop3A_95 : vector<16xi32> to vector<16xf32>
      %parallel_loop3A_97 = arith.subf %parallel_loop3A_94, %parallel_loop3A_96 : vector<16xf32>
      %parallel_loop3A_98 = arith.constant 231.607635 : f32
      %parallel_loop3A_99 = vector.broadcast %parallel_loop3A_98 : f32 to vector<16xf32>
      %parallel_loop3A_100 = arith.mulf %parallel_loop3A_82, %parallel_loop3A_99 : vector<16xf32>
      %parallel_loop3A_101 = arith.constant 1.275000e+02 : f32
      %parallel_loop3A_102 = vector.broadcast %parallel_loop3A_101 : f32 to vector<16xf32>
      %parallel_loop3A_103 = arith.addf %parallel_loop3A_100, %parallel_loop3A_102 : vector<16xf32>
      %parallel_loop3A_104 = arith.constant 254.997452 : f32
      %parallel_loop3A_105 = vector.broadcast %parallel_loop3A_104 : f32 to vector<16xf32>
      %parallel_loop3A_106 = arith.minimumf %parallel_loop3A_103, %parallel_loop3A_105 : vector<16xf32>
      %parallel_loop3A_107 = arith.constant 0.000000e+00 : f32
      %parallel_loop3A_108 = vector.broadcast %parallel_loop3A_107 : f32 to vector<16xf32>
      %parallel_loop3A_109 = arith.maximumf %parallel_loop3A_106, %parallel_loop3A_108 : vector<16xf32>
      %parallel_loop3A_110 = arith.fptosi %parallel_loop3A_109 : vector<16xf32> to vector<16xi32>
      %parallel_loop3A_111 = arith.sitofp %parallel_loop3A_110 : vector<16xi32> to vector<16xf32>
      %parallel_loop3A_112 = arith.subf %parallel_loop3A_109, %parallel_loop3A_111 : vector<16xf32>
      %parallel_loop3A_113 = arith.constant 256 : i32
      %parallel_loop3A_114 = vector.broadcast %parallel_loop3A_113 : i32 to vector<16xi32>
      %parallel_loop3A_115 = arith.muli %parallel_loop3A_110, %parallel_loop3A_114 : vector<16xi32>
      %parallel_loop3A_116 = arith.addi %parallel_loop3A_115, %parallel_loop3A_95 : vector<16xi32>
      %parallel_loop3A_117 = tpu.vector_load_idx %arg8[%parallel_loop3A_116] : memref<65536xi32, #tpu.memory_space<vmem>>[vector<16xi32>], vector<16xi32>,
      %parallel_loop3A_118 = arith.constant 256 : i32
      %parallel_loop3A_119 = vector.broadcast %parallel_loop3A_118 : i32 to vector<16xi32>
      %parallel_loop3A_120 = arith.addi %parallel_loop3A_116, %parallel_loop3A_119 : vector<16xi32>
      %parallel_loop3A_121 = tpu.vector_load_idx %arg8[%parallel_loop3A_120] : memref<65536xi32, #tpu.memory_space<vmem>>[vector<16xi32>], vector<16xi32>,
      %parallel_loop3A_122 = arith.constant 16 : i32
      %parallel_loop3A_123 = vector.broadcast %parallel_loop3A_122 : i32 to vector<16xi32>
      %parallel_loop3A_124 = arith.shli %parallel_loop3A_117, %parallel_loop3A_123 : vector<16xi32>
      %parallel_loop3A_125 = vector.bitcast %parallel_loop3A_124 : vector<16xi32> to vector<16xf32>
      %parallel_loop3A_126 = arith.constant -65536 : i32
      %parallel_loop3A_127 = vector.broadcast %parallel_loop3A_126 : i32 to vector<16xi32>
      %parallel_loop3A_128 = arith.andi %parallel_loop3A_117, %parallel_loop3A_127 : vector<16xi32>
      %parallel_loop3A_129 = vector.bitcast %parallel_loop3A_128 : vector<16xi32> to vector<16xf32>
      %parallel_loop3A_130 = arith.constant 16 : i32
      %parallel_loop3A_131 = vector.broadcast %parallel_loop3A_130 : i32 to vector<16xi32>
      %parallel_loop3A_132 = arith.shli %parallel_loop3A_121, %parallel_loop3A_131 : vector<16xi32>
      %parallel_loop3A_133 = vector.bitcast %parallel_loop3A_132 : vector<16xi32> to vector<16xf32>
      %parallel_loop3A_134 = arith.constant -65536 : i32
      %parallel_loop3A_135 = vector.broadcast %parallel_loop3A_134 : i32 to vector<16xi32>
      %parallel_loop3A_136 = arith.andi %parallel_loop3A_121, %parallel_loop3A_135 : vector<16xi32>
      %parallel_loop3A_137 = vector.bitcast %parallel_loop3A_136 : vector<16xi32> to vector<16xf32>
      %parallel_loop3A_138 = arith.subf %parallel_loop3A_129, %parallel_loop3A_125 : vector<16xf32>
      %parallel_loop3A_139 = arith.mulf %parallel_loop3A_97, %parallel_loop3A_138 : vector<16xf32>
      %parallel_loop3A_140 = arith.addf %parallel_loop3A_125, %parallel_loop3A_139 : vector<16xf32>
      %parallel_loop3A_141 = arith.subf %parallel_loop3A_137, %parallel_loop3A_133 : vector<16xf32>
      %parallel_loop3A_142 = arith.mulf %parallel_loop3A_97, %parallel_loop3A_141 : vector<16xf32>
      %parallel_loop3A_143 = arith.addf %parallel_loop3A_133, %parallel_loop3A_142 : vector<16xf32>
      %parallel_loop3A_144 = arith.subf %parallel_loop3A_143, %parallel_loop3A_140 : vector<16xf32>
      %parallel_loop3A_145 = arith.mulf %parallel_loop3A_112, %parallel_loop3A_144 : vector<16xf32>
      %parallel_loop3A_146 = arith.addf %parallel_loop3A_140, %parallel_loop3A_145 : vector<16xf32>
      %parallel_loop3A_147 = arith.mulf %get3A_27, %parallel_loop3A_80 : vector<16xf32>
      %parallel_loop3A_148 = arith.addf %parallel_loop3A_146, %parallel_loop3A_147 : vector<16xf32>
      %parallel_loop3A_149 = arith.mulf %get3A_31, %parallel_loop3A_82 : vector<16xf32>
      %parallel_loop3A_150 = arith.addf %parallel_loop3A_148, %parallel_loop3A_149 : vector<16xf32>
      %parallel_loop3A_151 = arith.addf %parallel_loop3A_150, %get3A_35 : vector<16xf32>
      %parallel_loop3A_152 = arith.index_cast %parallel_loop3A_78 : i32 to index
      %parallel_loop3A_153 = tpu.vector_load %arg11[%parallel_loop3A_152] {strides = array<i32>} : memref<16384xf32, #tpu.memory_space<vmem>>, vector<16xf32>,
      tpu.vector_store %arg11[%parallel_loop3A_152], %parallel_loop3A_151 {strides = array<i32>} : memref<16384xf32, #tpu.memory_space<vmem>>, vector<16xf32>,
    } {sc.loop_unroll_factor = 4 : i64, sc.parallel_access}
    %add3A_38 = arith.constant 524288 : i32
    %add3A_39 = arith.addi %add3A_38, %mul3A_2 : i32
    "tpu.region"() ({
      %run_scoped3A = tpu.sem_alloc : memref<!tpu.dma_semaphore, #tpu.memory_space<semaphore_mem>>
      %dma_start3A = tpu.memref_slice %arg5[%add3A_39] : memref<1572864xf32, #tpu.memory_space<hbm>> -> memref<16384xf32, #tpu.memory_space<hbm>>
      %dma_start3A_76 = tpu.memref_slice %arg5[%add3A_39] : memref<1572864xf32, #tpu.memory_space<hbm>> -> memref<16384xf32, #tpu.memory_space<hbm>>
      tpu.enqueue_dma source(%dma_start3A_76 : memref<16384xf32, #tpu.memory_space<hbm>>) target(%arg10 : memref<16384xf32, #tpu.memory_space<vmem>>) target_semaphore(%run_scoped3A : memref<!tpu.dma_semaphore, #tpu.memory_space<semaphore_mem>>)
      %dma_wait3A = tpu.memref_slice %arg5[%add3A_39] : memref<1572864xf32, #tpu.memory_space<hbm>> -> memref<16384xf32, #tpu.memory_space<hbm>>
      %dma_wait3A_77 = tpu.memref_slice %arg5[%add3A_39] : memref<1572864xf32, #tpu.memory_space<hbm>> -> memref<16384xf32, #tpu.memory_space<hbm>>
      tpu.wait_dma2 semaphore(%run_scoped3A : memref<!tpu.dma_semaphore, #tpu.memory_space<semaphore_mem>>) src(%dma_wait3A_77 : memref<16384xf32, #tpu.memory_space<hbm>>) dst(%arg10 : memref<16384xf32, #tpu.memory_space<vmem>>)
      tpu.yield
    }) : () -> ()
    %mul3A_40 = arith.constant 65536 : i32
    %mul3A_41 = arith.muli %select_n3A, %mul3A_40 : i32
    "tpu.region"() ({
      %run_scoped3A = tpu.sem_alloc : memref<!tpu.dma_semaphore, #tpu.memory_space<semaphore_mem>>
      %dma_start3A = tpu.memref_slice %arg3[%mul3A_41] : memref<262144xi32, #tpu.memory_space<hbm>> -> memref<65536xi32, #tpu.memory_space<hbm>>
      %dma_start3A_76 = tpu.memref_slice %arg3[%mul3A_41] : memref<262144xi32, #tpu.memory_space<hbm>> -> memref<65536xi32, #tpu.memory_space<hbm>>
      tpu.enqueue_dma source(%dma_start3A_76 : memref<65536xi32, #tpu.memory_space<hbm>>) target(%arg8 : memref<65536xi32, #tpu.memory_space<vmem>>) target_semaphore(%run_scoped3A : memref<!tpu.dma_semaphore, #tpu.memory_space<semaphore_mem>>)
      %dma_wait3A = tpu.memref_slice %arg3[%mul3A_41] : memref<262144xi32, #tpu.memory_space<hbm>> -> memref<65536xi32, #tpu.memory_space<hbm>>
      %dma_wait3A_77 = tpu.memref_slice %arg3[%mul3A_41] : memref<262144xi32, #tpu.memory_space<hbm>> -> memref<65536xi32, #tpu.memory_space<hbm>>
      tpu.wait_dma2 semaphore(%run_scoped3A : memref<!tpu.dma_semaphore, #tpu.memory_space<semaphore_mem>>) src(%dma_wait3A_77 : memref<65536xi32, #tpu.memory_space<hbm>>) dst(%arg8 : memref<65536xi32, #tpu.memory_space<vmem>>)
      tpu.yield
    }) : () -> ()
    %get3A_42 = arith.constant 0 : i32
    %get3A_43 = arith.index_cast %get3A_42 : i32 to index
    %get3A_44 = arith.constant 0 : index
    %get3A_45 = tpu.vector_load %arg12[%get3A_43, %get3A_44] {strides = array<i32>} : memref<4x16xf32, #tpu.memory_space<vmem>>, vector<16xf32>,
    %get3A_46 = arith.constant 1 : i32
    %get3A_47 = arith.index_cast %get3A_46 : i32 to index
    %get3A_48 = arith.constant 0 : index
    %get3A_49 = tpu.vector_load %arg12[%get3A_47, %get3A_48] {strides = array<i32>} : memref<4x16xf32, #tpu.memory_space<vmem>>, vector<16xf32>,
    %get3A_50 = arith.constant 3 : i32
    %get3A_51 = arith.index_cast %get3A_50 : i32 to index
    %get3A_52 = arith.constant 0 : index
    %get3A_53 = tpu.vector_load %arg12[%get3A_51, %get3A_52] {strides = array<i32>} : memref<4x16xf32, #tpu.memory_space<vmem>>, vector<16xf32>,
    %parallel_loop3A_54 = arith.constant 0 : i32
    %parallel_loop3A_55 = arith.constant 1024 : i32
    %parallel_loop3A_56 = arith.constant 1 : i32
    scf.for %parallel_loop3A_76 = %parallel_loop3A_54 to %parallel_loop3A_55 step %parallel_loop3A_56  : i32 {
      %parallel_loop3A_77 = arith.constant 16 : i32
      %parallel_loop3A_78 = arith.muli %parallel_loop3A_76, %parallel_loop3A_77 : i32
      %parallel_loop3A_79 = arith.index_cast %parallel_loop3A_78 : i32 to index
      %parallel_loop3A_80 = tpu.vector_load %arg9[%parallel_loop3A_79] {strides = array<i32>} : memref<16384xf32, #tpu.memory_space<vmem>>, vector<16xf32>,
      %parallel_loop3A_81 = arith.index_cast %parallel_loop3A_78 : i32 to index
      %parallel_loop3A_82 = tpu.vector_load %arg10[%parallel_loop3A_81] {strides = array<i32>} : memref<16384xf32, #tpu.memory_space<vmem>>, vector<16xf32>,
      %parallel_loop3A_83 = arith.constant 231.607635 : f32
      %parallel_loop3A_84 = vector.broadcast %parallel_loop3A_83 : f32 to vector<16xf32>
      %parallel_loop3A_85 = arith.mulf %parallel_loop3A_80, %parallel_loop3A_84 : vector<16xf32>
      %parallel_loop3A_86 = arith.constant 1.275000e+02 : f32
      %parallel_loop3A_87 = vector.broadcast %parallel_loop3A_86 : f32 to vector<16xf32>
      %parallel_loop3A_88 = arith.addf %parallel_loop3A_85, %parallel_loop3A_87 : vector<16xf32>
      %parallel_loop3A_89 = arith.constant 254.997452 : f32
      %parallel_loop3A_90 = vector.broadcast %parallel_loop3A_89 : f32 to vector<16xf32>
      %parallel_loop3A_91 = arith.minimumf %parallel_loop3A_88, %parallel_loop3A_90 : vector<16xf32>
      %parallel_loop3A_92 = arith.constant 0.000000e+00 : f32
      %parallel_loop3A_93 = vector.broadcast %parallel_loop3A_92 : f32 to vector<16xf32>
      %parallel_loop3A_94 = arith.maximumf %parallel_loop3A_91, %parallel_loop3A_93 : vector<16xf32>
      %parallel_loop3A_95 = arith.fptosi %parallel_loop3A_94 : vector<16xf32> to vector<16xi32>
      %parallel_loop3A_96 = arith.sitofp %parallel_loop3A_95 : vector<16xi32> to vector<16xf32>
      %parallel_loop3A_97 = arith.subf %parallel_loop3A_94, %parallel_loop3A_96 : vector<16xf32>
      %parallel_loop3A_98 = arith.constant 231.607635 : f32
      %parallel_loop3A_99 = vector.broadcast %parallel_loop3A_98 : f32 to vector<16xf32>
      %parallel_loop3A_100 = arith.mulf %parallel_loop3A_82, %parallel_loop3A_99 : vector<16xf32>
      %parallel_loop3A_101 = arith.constant 1.275000e+02 : f32
      %parallel_loop3A_102 = vector.broadcast %parallel_loop3A_101 : f32 to vector<16xf32>
      %parallel_loop3A_103 = arith.addf %parallel_loop3A_100, %parallel_loop3A_102 : vector<16xf32>
      %parallel_loop3A_104 = arith.constant 254.997452 : f32
      %parallel_loop3A_105 = vector.broadcast %parallel_loop3A_104 : f32 to vector<16xf32>
      %parallel_loop3A_106 = arith.minimumf %parallel_loop3A_103, %parallel_loop3A_105 : vector<16xf32>
      %parallel_loop3A_107 = arith.constant 0.000000e+00 : f32
      %parallel_loop3A_108 = vector.broadcast %parallel_loop3A_107 : f32 to vector<16xf32>
      %parallel_loop3A_109 = arith.maximumf %parallel_loop3A_106, %parallel_loop3A_108 : vector<16xf32>
      %parallel_loop3A_110 = arith.fptosi %parallel_loop3A_109 : vector<16xf32> to vector<16xi32>
      %parallel_loop3A_111 = arith.sitofp %parallel_loop3A_110 : vector<16xi32> to vector<16xf32>
      %parallel_loop3A_112 = arith.subf %parallel_loop3A_109, %parallel_loop3A_111 : vector<16xf32>
      %parallel_loop3A_113 = arith.constant 256 : i32
      %parallel_loop3A_114 = vector.broadcast %parallel_loop3A_113 : i32 to vector<16xi32>
      %parallel_loop3A_115 = arith.muli %parallel_loop3A_110, %parallel_loop3A_114 : vector<16xi32>
      %parallel_loop3A_116 = arith.addi %parallel_loop3A_115, %parallel_loop3A_95 : vector<16xi32>
      %parallel_loop3A_117 = tpu.vector_load_idx %arg8[%parallel_loop3A_116] : memref<65536xi32, #tpu.memory_space<vmem>>[vector<16xi32>], vector<16xi32>,
      %parallel_loop3A_118 = arith.constant 256 : i32
      %parallel_loop3A_119 = vector.broadcast %parallel_loop3A_118 : i32 to vector<16xi32>
      %parallel_loop3A_120 = arith.addi %parallel_loop3A_116, %parallel_loop3A_119 : vector<16xi32>
      %parallel_loop3A_121 = tpu.vector_load_idx %arg8[%parallel_loop3A_120] : memref<65536xi32, #tpu.memory_space<vmem>>[vector<16xi32>], vector<16xi32>,
      %parallel_loop3A_122 = arith.constant 16 : i32
      %parallel_loop3A_123 = vector.broadcast %parallel_loop3A_122 : i32 to vector<16xi32>
      %parallel_loop3A_124 = arith.shli %parallel_loop3A_117, %parallel_loop3A_123 : vector<16xi32>
      %parallel_loop3A_125 = vector.bitcast %parallel_loop3A_124 : vector<16xi32> to vector<16xf32>
      %parallel_loop3A_126 = arith.constant -65536 : i32
      %parallel_loop3A_127 = vector.broadcast %parallel_loop3A_126 : i32 to vector<16xi32>
      %parallel_loop3A_128 = arith.andi %parallel_loop3A_117, %parallel_loop3A_127 : vector<16xi32>
      %parallel_loop3A_129 = vector.bitcast %parallel_loop3A_128 : vector<16xi32> to vector<16xf32>
      %parallel_loop3A_130 = arith.constant 16 : i32
      %parallel_loop3A_131 = vector.broadcast %parallel_loop3A_130 : i32 to vector<16xi32>
      %parallel_loop3A_132 = arith.shli %parallel_loop3A_121, %parallel_loop3A_131 : vector<16xi32>
      %parallel_loop3A_133 = vector.bitcast %parallel_loop3A_132 : vector<16xi32> to vector<16xf32>
      %parallel_loop3A_134 = arith.constant -65536 : i32
      %parallel_loop3A_135 = vector.broadcast %parallel_loop3A_134 : i32 to vector<16xi32>
      %parallel_loop3A_136 = arith.andi %parallel_loop3A_121, %parallel_loop3A_135 : vector<16xi32>
      %parallel_loop3A_137 = vector.bitcast %parallel_loop3A_136 : vector<16xi32> to vector<16xf32>
      %parallel_loop3A_138 = arith.subf %parallel_loop3A_129, %parallel_loop3A_125 : vector<16xf32>
      %parallel_loop3A_139 = arith.mulf %parallel_loop3A_97, %parallel_loop3A_138 : vector<16xf32>
      %parallel_loop3A_140 = arith.addf %parallel_loop3A_125, %parallel_loop3A_139 : vector<16xf32>
      %parallel_loop3A_141 = arith.subf %parallel_loop3A_137, %parallel_loop3A_133 : vector<16xf32>
      %parallel_loop3A_142 = arith.mulf %parallel_loop3A_97, %parallel_loop3A_141 : vector<16xf32>
      %parallel_loop3A_143 = arith.addf %parallel_loop3A_133, %parallel_loop3A_142 : vector<16xf32>
      %parallel_loop3A_144 = arith.subf %parallel_loop3A_143, %parallel_loop3A_140 : vector<16xf32>
      %parallel_loop3A_145 = arith.mulf %parallel_loop3A_112, %parallel_loop3A_144 : vector<16xf32>
      %parallel_loop3A_146 = arith.addf %parallel_loop3A_140, %parallel_loop3A_145 : vector<16xf32>
      %parallel_loop3A_147 = arith.mulf %get3A_45, %parallel_loop3A_80 : vector<16xf32>
      %parallel_loop3A_148 = arith.addf %parallel_loop3A_146, %parallel_loop3A_147 : vector<16xf32>
      %parallel_loop3A_149 = arith.mulf %get3A_49, %parallel_loop3A_82 : vector<16xf32>
      %parallel_loop3A_150 = arith.addf %parallel_loop3A_148, %parallel_loop3A_149 : vector<16xf32>
      %parallel_loop3A_151 = arith.index_cast %parallel_loop3A_78 : i32 to index
      %parallel_loop3A_152 = tpu.vector_load %arg11[%parallel_loop3A_151] {strides = array<i32>} : memref<16384xf32, #tpu.memory_space<vmem>>, vector<16xf32>,
      %parallel_loop3A_153 = arith.addf %parallel_loop3A_152, %parallel_loop3A_150 : vector<16xf32>
      %parallel_loop3A_154 = arith.index_cast %parallel_loop3A_78 : i32 to index
      %parallel_loop3A_155 = tpu.vector_load %arg11[%parallel_loop3A_154] {strides = array<i32>} : memref<16384xf32, #tpu.memory_space<vmem>>, vector<16xf32>,
      tpu.vector_store %arg11[%parallel_loop3A_154], %parallel_loop3A_153 {strides = array<i32>} : memref<16384xf32, #tpu.memory_space<vmem>>, vector<16xf32>,
    } {sc.loop_unroll_factor = 4 : i64, sc.parallel_access}
    %add3A_57 = arith.constant 1048576 : i32
    %add3A_58 = arith.addi %add3A_57, %mul3A_2 : i32
    "tpu.region"() ({
      %run_scoped3A = tpu.sem_alloc : memref<!tpu.dma_semaphore, #tpu.memory_space<semaphore_mem>>
      %dma_start3A = tpu.memref_slice %arg5[%add3A_58] : memref<1572864xf32, #tpu.memory_space<hbm>> -> memref<16384xf32, #tpu.memory_space<hbm>>
      %dma_start3A_76 = tpu.memref_slice %arg5[%add3A_58] : memref<1572864xf32, #tpu.memory_space<hbm>> -> memref<16384xf32, #tpu.memory_space<hbm>>
      tpu.enqueue_dma source(%dma_start3A_76 : memref<16384xf32, #tpu.memory_space<hbm>>) target(%arg9 : memref<16384xf32, #tpu.memory_space<vmem>>) target_semaphore(%run_scoped3A : memref<!tpu.dma_semaphore, #tpu.memory_space<semaphore_mem>>)
      %dma_wait3A = tpu.memref_slice %arg5[%add3A_58] : memref<1572864xf32, #tpu.memory_space<hbm>> -> memref<16384xf32, #tpu.memory_space<hbm>>
      %dma_wait3A_77 = tpu.memref_slice %arg5[%add3A_58] : memref<1572864xf32, #tpu.memory_space<hbm>> -> memref<16384xf32, #tpu.memory_space<hbm>>
      tpu.wait_dma2 semaphore(%run_scoped3A : memref<!tpu.dma_semaphore, #tpu.memory_space<semaphore_mem>>) src(%dma_wait3A_77 : memref<16384xf32, #tpu.memory_space<hbm>>) dst(%arg9 : memref<16384xf32, #tpu.memory_space<vmem>>)
      tpu.yield
    }) : () -> ()
    %mul3A_59 = arith.constant 65536 : i32
    %mul3A_60 = arith.muli %select_n3A, %mul3A_59 : i32
    "tpu.region"() ({
      %run_scoped3A = tpu.sem_alloc : memref<!tpu.dma_semaphore, #tpu.memory_space<semaphore_mem>>
      %dma_start3A = tpu.memref_slice %arg4[%mul3A_60] : memref<262144xi32, #tpu.memory_space<hbm>> -> memref<65536xi32, #tpu.memory_space<hbm>>
      %dma_start3A_76 = tpu.memref_slice %arg4[%mul3A_60] : memref<262144xi32, #tpu.memory_space<hbm>> -> memref<65536xi32, #tpu.memory_space<hbm>>
      tpu.enqueue_dma source(%dma_start3A_76 : memref<65536xi32, #tpu.memory_space<hbm>>) target(%arg8 : memref<65536xi32, #tpu.memory_space<vmem>>) target_semaphore(%run_scoped3A : memref<!tpu.dma_semaphore, #tpu.memory_space<semaphore_mem>>)
      %dma_wait3A = tpu.memref_slice %arg4[%mul3A_60] : memref<262144xi32, #tpu.memory_space<hbm>> -> memref<65536xi32, #tpu.memory_space<hbm>>
      %dma_wait3A_77 = tpu.memref_slice %arg4[%mul3A_60] : memref<262144xi32, #tpu.memory_space<hbm>> -> memref<65536xi32, #tpu.memory_space<hbm>>
      tpu.wait_dma2 semaphore(%run_scoped3A : memref<!tpu.dma_semaphore, #tpu.memory_space<semaphore_mem>>) src(%dma_wait3A_77 : memref<65536xi32, #tpu.memory_space<hbm>>) dst(%arg8 : memref<65536xi32, #tpu.memory_space<vmem>>)
      tpu.yield
    }) : () -> ()
    %get3A_61 = arith.constant 1 : i32
    %get3A_62 = arith.index_cast %get3A_61 : i32 to index
    %get3A_63 = arith.constant 0 : index
    %get3A_64 = tpu.vector_load %arg12[%get3A_62, %get3A_63] {strides = array<i32>} : memref<4x16xf32, #tpu.memory_space<vmem>>, vector<16xf32>,
    %get3A_65 = arith.constant 2 : i32
    %get3A_66 = arith.index_cast %get3A_65 : i32 to index
    %get3A_67 = arith.constant 0 : index
    %get3A_68 = tpu.vector_load %arg12[%get3A_66, %get3A_67] {strides = array<i32>} : memref<4x16xf32, #tpu.memory_space<vmem>>, vector<16xf32>,
    %get3A_69 = arith.constant 3 : i32
    %get3A_70 = arith.index_cast %get3A_69 : i32 to index
    %get3A_71 = arith.constant 0 : index
    %get3A_72 = tpu.vector_load %arg12[%get3A_70, %get3A_71] {strides = array<i32>} : memref<4x16xf32, #tpu.memory_space<vmem>>, vector<16xf32>,
    %parallel_loop3A_73 = arith.constant 0 : i32
    %parallel_loop3A_74 = arith.constant 1024 : i32
    %parallel_loop3A_75 = arith.constant 1 : i32
    scf.for %parallel_loop3A_76 = %parallel_loop3A_73 to %parallel_loop3A_74 step %parallel_loop3A_75  : i32 {
      %parallel_loop3A_77 = arith.constant 16 : i32
      %parallel_loop3A_78 = arith.muli %parallel_loop3A_76, %parallel_loop3A_77 : i32
      %parallel_loop3A_79 = arith.index_cast %parallel_loop3A_78 : i32 to index
      %parallel_loop3A_80 = tpu.vector_load %arg10[%parallel_loop3A_79] {strides = array<i32>} : memref<16384xf32, #tpu.memory_space<vmem>>, vector<16xf32>,
      %parallel_loop3A_81 = arith.index_cast %parallel_loop3A_78 : i32 to index
      %parallel_loop3A_82 = tpu.vector_load %arg9[%parallel_loop3A_81] {strides = array<i32>} : memref<16384xf32, #tpu.memory_space<vmem>>, vector<16xf32>,
      %parallel_loop3A_83 = arith.constant 231.607635 : f32
      %parallel_loop3A_84 = vector.broadcast %parallel_loop3A_83 : f32 to vector<16xf32>
      %parallel_loop3A_85 = arith.mulf %parallel_loop3A_80, %parallel_loop3A_84 : vector<16xf32>
      %parallel_loop3A_86 = arith.constant 1.275000e+02 : f32
      %parallel_loop3A_87 = vector.broadcast %parallel_loop3A_86 : f32 to vector<16xf32>
      %parallel_loop3A_88 = arith.addf %parallel_loop3A_85, %parallel_loop3A_87 : vector<16xf32>
      %parallel_loop3A_89 = arith.constant 254.997452 : f32
      %parallel_loop3A_90 = vector.broadcast %parallel_loop3A_89 : f32 to vector<16xf32>
      %parallel_loop3A_91 = arith.minimumf %parallel_loop3A_88, %parallel_loop3A_90 : vector<16xf32>
      %parallel_loop3A_92 = arith.constant 0.000000e+00 : f32
      %parallel_loop3A_93 = vector.broadcast %parallel_loop3A_92 : f32 to vector<16xf32>
      %parallel_loop3A_94 = arith.maximumf %parallel_loop3A_91, %parallel_loop3A_93 : vector<16xf32>
      %parallel_loop3A_95 = arith.fptosi %parallel_loop3A_94 : vector<16xf32> to vector<16xi32>
      %parallel_loop3A_96 = arith.sitofp %parallel_loop3A_95 : vector<16xi32> to vector<16xf32>
      %parallel_loop3A_97 = arith.subf %parallel_loop3A_94, %parallel_loop3A_96 : vector<16xf32>
      %parallel_loop3A_98 = arith.constant 231.607635 : f32
      %parallel_loop3A_99 = vector.broadcast %parallel_loop3A_98 : f32 to vector<16xf32>
      %parallel_loop3A_100 = arith.mulf %parallel_loop3A_82, %parallel_loop3A_99 : vector<16xf32>
      %parallel_loop3A_101 = arith.constant 1.275000e+02 : f32
      %parallel_loop3A_102 = vector.broadcast %parallel_loop3A_101 : f32 to vector<16xf32>
      %parallel_loop3A_103 = arith.addf %parallel_loop3A_100, %parallel_loop3A_102 : vector<16xf32>
      %parallel_loop3A_104 = arith.constant 254.997452 : f32
      %parallel_loop3A_105 = vector.broadcast %parallel_loop3A_104 : f32 to vector<16xf32>
      %parallel_loop3A_106 = arith.minimumf %parallel_loop3A_103, %parallel_loop3A_105 : vector<16xf32>
      %parallel_loop3A_107 = arith.constant 0.000000e+00 : f32
      %parallel_loop3A_108 = vector.broadcast %parallel_loop3A_107 : f32 to vector<16xf32>
      %parallel_loop3A_109 = arith.maximumf %parallel_loop3A_106, %parallel_loop3A_108 : vector<16xf32>
      %parallel_loop3A_110 = arith.fptosi %parallel_loop3A_109 : vector<16xf32> to vector<16xi32>
      %parallel_loop3A_111 = arith.sitofp %parallel_loop3A_110 : vector<16xi32> to vector<16xf32>
      %parallel_loop3A_112 = arith.subf %parallel_loop3A_109, %parallel_loop3A_111 : vector<16xf32>
      %parallel_loop3A_113 = arith.constant 256 : i32
      %parallel_loop3A_114 = vector.broadcast %parallel_loop3A_113 : i32 to vector<16xi32>
      %parallel_loop3A_115 = arith.muli %parallel_loop3A_110, %parallel_loop3A_114 : vector<16xi32>
      %parallel_loop3A_116 = arith.addi %parallel_loop3A_115, %parallel_loop3A_95 : vector<16xi32>
      %parallel_loop3A_117 = tpu.vector_load_idx %arg8[%parallel_loop3A_116] : memref<65536xi32, #tpu.memory_space<vmem>>[vector<16xi32>], vector<16xi32>,
      %parallel_loop3A_118 = arith.constant 256 : i32
      %parallel_loop3A_119 = vector.broadcast %parallel_loop3A_118 : i32 to vector<16xi32>
      %parallel_loop3A_120 = arith.addi %parallel_loop3A_116, %parallel_loop3A_119 : vector<16xi32>
      %parallel_loop3A_121 = tpu.vector_load_idx %arg8[%parallel_loop3A_120] : memref<65536xi32, #tpu.memory_space<vmem>>[vector<16xi32>], vector<16xi32>,
      %parallel_loop3A_122 = arith.constant 16 : i32
      %parallel_loop3A_123 = vector.broadcast %parallel_loop3A_122 : i32 to vector<16xi32>
      %parallel_loop3A_124 = arith.shli %parallel_loop3A_117, %parallel_loop3A_123 : vector<16xi32>
      %parallel_loop3A_125 = vector.bitcast %parallel_loop3A_124 : vector<16xi32> to vector<16xf32>
      %parallel_loop3A_126 = arith.constant -65536 : i32
      %parallel_loop3A_127 = vector.broadcast %parallel_loop3A_126 : i32 to vector<16xi32>
      %parallel_loop3A_128 = arith.andi %parallel_loop3A_117, %parallel_loop3A_127 : vector<16xi32>
      %parallel_loop3A_129 = vector.bitcast %parallel_loop3A_128 : vector<16xi32> to vector<16xf32>
      %parallel_loop3A_130 = arith.constant 16 : i32
      %parallel_loop3A_131 = vector.broadcast %parallel_loop3A_130 : i32 to vector<16xi32>
      %parallel_loop3A_132 = arith.shli %parallel_loop3A_121, %parallel_loop3A_131 : vector<16xi32>
      %parallel_loop3A_133 = vector.bitcast %parallel_loop3A_132 : vector<16xi32> to vector<16xf32>
      %parallel_loop3A_134 = arith.constant -65536 : i32
      %parallel_loop3A_135 = vector.broadcast %parallel_loop3A_134 : i32 to vector<16xi32>
      %parallel_loop3A_136 = arith.andi %parallel_loop3A_121, %parallel_loop3A_135 : vector<16xi32>
      %parallel_loop3A_137 = vector.bitcast %parallel_loop3A_136 : vector<16xi32> to vector<16xf32>
      %parallel_loop3A_138 = arith.subf %parallel_loop3A_129, %parallel_loop3A_125 : vector<16xf32>
      %parallel_loop3A_139 = arith.mulf %parallel_loop3A_97, %parallel_loop3A_138 : vector<16xf32>
      %parallel_loop3A_140 = arith.addf %parallel_loop3A_125, %parallel_loop3A_139 : vector<16xf32>
      %parallel_loop3A_141 = arith.subf %parallel_loop3A_137, %parallel_loop3A_133 : vector<16xf32>
      %parallel_loop3A_142 = arith.mulf %parallel_loop3A_97, %parallel_loop3A_141 : vector<16xf32>
      %parallel_loop3A_143 = arith.addf %parallel_loop3A_133, %parallel_loop3A_142 : vector<16xf32>
      %parallel_loop3A_144 = arith.subf %parallel_loop3A_143, %parallel_loop3A_140 : vector<16xf32>
      %parallel_loop3A_145 = arith.mulf %parallel_loop3A_112, %parallel_loop3A_144 : vector<16xf32>
      %parallel_loop3A_146 = arith.addf %parallel_loop3A_140, %parallel_loop3A_145 : vector<16xf32>
      %parallel_loop3A_147 = arith.mulf %get3A_64, %parallel_loop3A_80 : vector<16xf32>
      %parallel_loop3A_148 = arith.addf %parallel_loop3A_146, %parallel_loop3A_147 : vector<16xf32>
      %parallel_loop3A_149 = arith.mulf %get3A_68, %parallel_loop3A_82 : vector<16xf32>
      %parallel_loop3A_150 = arith.addf %parallel_loop3A_148, %parallel_loop3A_149 : vector<16xf32>
      %parallel_loop3A_151 = arith.index_cast %parallel_loop3A_78 : i32 to index
      %parallel_loop3A_152 = tpu.vector_load %arg11[%parallel_loop3A_151] {strides = array<i32>} : memref<16384xf32, #tpu.memory_space<vmem>>, vector<16xf32>,
      %parallel_loop3A_153 = arith.addf %parallel_loop3A_152, %parallel_loop3A_150 : vector<16xf32>
      %parallel_loop3A_154 = arith.index_cast %parallel_loop3A_78 : i32 to index
      %parallel_loop3A_155 = tpu.vector_load %arg11[%parallel_loop3A_154] {strides = array<i32>} : memref<16384xf32, #tpu.memory_space<vmem>>, vector<16xf32>,
      tpu.vector_store %arg11[%parallel_loop3A_154], %parallel_loop3A_153 {strides = array<i32>} : memref<16384xf32, #tpu.memory_space<vmem>>, vector<16xf32>,
    } {sc.loop_unroll_factor = 4 : i64, sc.parallel_access}
    "tpu.region"() ({
      %run_scoped3A = tpu.sem_alloc : memref<!tpu.dma_semaphore, #tpu.memory_space<semaphore_mem>>
      %dma_start3A = tpu.memref_slice %arg7[%mul3A_2] : memref<524288xf32, #tpu.memory_space<hbm>> -> memref<16384xf32, #tpu.memory_space<hbm>>
      %dma_start3A_76 = tpu.memref_slice %arg7[%mul3A_2] : memref<524288xf32, #tpu.memory_space<hbm>> -> memref<16384xf32, #tpu.memory_space<hbm>>
      tpu.enqueue_dma source(%arg11 : memref<16384xf32, #tpu.memory_space<vmem>>) target(%dma_start3A_76 : memref<16384xf32, #tpu.memory_space<hbm>>) target_semaphore(%run_scoped3A : memref<!tpu.dma_semaphore, #tpu.memory_space<semaphore_mem>>)
      %dma_wait3A = tpu.memref_slice %arg7[%mul3A_2] : memref<524288xf32, #tpu.memory_space<hbm>> -> memref<16384xf32, #tpu.memory_space<hbm>>
      %dma_wait3A_77 = tpu.memref_slice %arg7[%mul3A_2] : memref<524288xf32, #tpu.memory_space<hbm>> -> memref<16384xf32, #tpu.memory_space<hbm>>
      tpu.wait_dma2 semaphore(%run_scoped3A : memref<!tpu.dma_semaphore, #tpu.memory_space<semaphore_mem>>) src(%arg11 : memref<16384xf32, #tpu.memory_space<vmem>>) dst(%dma_wait3A_77 : memref<16384xf32, #tpu.memory_space<hbm>>)
      tpu.yield
    }) : () -> ()
    return
  }
}

module attributes {stable_mosaic.version = 14 : i64} {
  func.func @_contract_body(%arg0: i32, %arg1: i32, %arg2: memref<1x32xf32, #tpu.memory_space<smem>>, %arg3: memref<1x32x128x256xf32, #tpu.memory_space<vmem>>, %arg4: memref<1x32x128x256xf32, #tpu.memory_space<vmem>>, %arg5: memref<1x32x128x256xf32, #tpu.memory_space<vmem>>, %arg6: memref<1x1x32768xi32, #tpu.memory_space<vmem>>, %arg7: memref<1x1x32768xi32, #tpu.memory_space<vmem>>, %arg8: memref<1x1x32768xi32, #tpu.memory_space<vmem>>) attributes {dimension_semantics = [#tpu.dimension_semantics<arbitrary>, #tpu.dimension_semantics<arbitrary>], iteration_bounds = array<i64: 4, 2>, scalar_prefetch = 0 : i64, scratch_operands = 0 : i64, tpu.core_type = #tpu.core_type<tc>, window_params = [{transform_indices = @transform_0, window_bounds = array<i64: 1, 32>}, {transform_indices = @transform_1, window_bounds = array<i64: 1, 32, 128, 256>}, {transform_indices = @transform_2, window_bounds = array<i64: 1, 32, 128, 256>}, {transform_indices = @transform_3, window_bounds = array<i64: 1, 32, 128, 256>}, {transform_indices = @transform_4, window_bounds = array<i64: 1, 1, 32768>}, {transform_indices = @transform_5, window_bounds = array<i64: 1, 1, 32768>}, {transform_indices = @transform_6, window_bounds = array<i64: 1, 1, 32768>}]} {
    %get3A = arith.constant 0 : index
    %get3A_0 = arith.constant 0 : index
    %get3A_1 = arith.constant 0 : index
    %get3A_2 = arith.constant 0 : index
    %get3A_3 = vector.load %arg3[%get3A, %get3A_0, %get3A_1, %get3A_2] : memref<1x32x128x256xf32, #tpu.memory_space<vmem>>, vector<1x32x128x256xf32>
    %get3A_4 = vector.shape_cast %get3A_3 : vector<1x32x128x256xf32> to vector<32x128x256xf32>
    %get3A_5 = arith.constant 0 : index
    %get3A_6 = arith.constant 0 : index
    %get3A_7 = memref.load %arg2[%get3A_5, %get3A_6] : memref<1x32xf32, #tpu.memory_space<smem>>
    %slice3A = vector.extract_strided_slice %get3A_4 {offsets = [0, 0, 0], sizes = [1, 128, 256], strides = [1, 1, 1]} : vector<32x128x256xf32> to vector<1x128x256xf32>
    %squeeze3A = vector.shape_cast %slice3A : vector<1x128x256xf32> to vector<128x256xf32>
    %mul3A = vector.broadcast %get3A_7 : f32 to vector<128x256xf32>
    %mul3A_8 = arith.mulf %mul3A, %squeeze3A : vector<128x256xf32>
    %get3A_9 = arith.constant 0 : index
    %get3A_10 = arith.constant 1 : index
    %get3A_11 = memref.load %arg2[%get3A_9, %get3A_10] : memref<1x32xf32, #tpu.memory_space<smem>>
    %slice3A_12 = vector.extract_strided_slice %get3A_4 {offsets = [1, 0, 0], sizes = [1, 128, 256], strides = [1, 1, 1]} : vector<32x128x256xf32> to vector<1x128x256xf32>
    %squeeze3A_13 = vector.shape_cast %slice3A_12 : vector<1x128x256xf32> to vector<128x256xf32>
    %mul3A_14 = vector.broadcast %get3A_11 : f32 to vector<128x256xf32>
    %mul3A_15 = arith.mulf %mul3A_14, %squeeze3A_13 : vector<128x256xf32>
    %add3A = arith.addf %mul3A_8, %mul3A_15 : vector<128x256xf32>
    %get3A_16 = arith.constant 0 : index
    %get3A_17 = arith.constant 2 : index
    %get3A_18 = memref.load %arg2[%get3A_16, %get3A_17] : memref<1x32xf32, #tpu.memory_space<smem>>
    %slice3A_19 = vector.extract_strided_slice %get3A_4 {offsets = [2, 0, 0], sizes = [1, 128, 256], strides = [1, 1, 1]} : vector<32x128x256xf32> to vector<1x128x256xf32>
    %squeeze3A_20 = vector.shape_cast %slice3A_19 : vector<1x128x256xf32> to vector<128x256xf32>
    %mul3A_21 = vector.broadcast %get3A_18 : f32 to vector<128x256xf32>
    %mul3A_22 = arith.mulf %mul3A_21, %squeeze3A_20 : vector<128x256xf32>
    %add3A_23 = arith.addf %add3A, %mul3A_22 : vector<128x256xf32>
    %get3A_24 = arith.constant 0 : index
    %get3A_25 = arith.constant 3 : index
    %get3A_26 = memref.load %arg2[%get3A_24, %get3A_25] : memref<1x32xf32, #tpu.memory_space<smem>>
    %slice3A_27 = vector.extract_strided_slice %get3A_4 {offsets = [3, 0, 0], sizes = [1, 128, 256], strides = [1, 1, 1]} : vector<32x128x256xf32> to vector<1x128x256xf32>
    %squeeze3A_28 = vector.shape_cast %slice3A_27 : vector<1x128x256xf32> to vector<128x256xf32>
    %mul3A_29 = vector.broadcast %get3A_26 : f32 to vector<128x256xf32>
    %mul3A_30 = arith.mulf %mul3A_29, %squeeze3A_28 : vector<128x256xf32>
    %add3A_31 = arith.addf %add3A_23, %mul3A_30 : vector<128x256xf32>
    %get3A_32 = arith.constant 0 : index
    %get3A_33 = arith.constant 4 : index
    %get3A_34 = memref.load %arg2[%get3A_32, %get3A_33] : memref<1x32xf32, #tpu.memory_space<smem>>
    %slice3A_35 = vector.extract_strided_slice %get3A_4 {offsets = [4, 0, 0], sizes = [1, 128, 256], strides = [1, 1, 1]} : vector<32x128x256xf32> to vector<1x128x256xf32>
    %squeeze3A_36 = vector.shape_cast %slice3A_35 : vector<1x128x256xf32> to vector<128x256xf32>
    %mul3A_37 = vector.broadcast %get3A_34 : f32 to vector<128x256xf32>
    %mul3A_38 = arith.mulf %mul3A_37, %squeeze3A_36 : vector<128x256xf32>
    %add3A_39 = arith.addf %add3A_31, %mul3A_38 : vector<128x256xf32>
    %get3A_40 = arith.constant 0 : index
    %get3A_41 = arith.constant 5 : index
    %get3A_42 = memref.load %arg2[%get3A_40, %get3A_41] : memref<1x32xf32, #tpu.memory_space<smem>>
    %slice3A_43 = vector.extract_strided_slice %get3A_4 {offsets = [5, 0, 0], sizes = [1, 128, 256], strides = [1, 1, 1]} : vector<32x128x256xf32> to vector<1x128x256xf32>
    %squeeze3A_44 = vector.shape_cast %slice3A_43 : vector<1x128x256xf32> to vector<128x256xf32>
    %mul3A_45 = vector.broadcast %get3A_42 : f32 to vector<128x256xf32>
    %mul3A_46 = arith.mulf %mul3A_45, %squeeze3A_44 : vector<128x256xf32>
    %add3A_47 = arith.addf %add3A_39, %mul3A_46 : vector<128x256xf32>
    %get3A_48 = arith.constant 0 : index
    %get3A_49 = arith.constant 6 : index
    %get3A_50 = memref.load %arg2[%get3A_48, %get3A_49] : memref<1x32xf32, #tpu.memory_space<smem>>
    %slice3A_51 = vector.extract_strided_slice %get3A_4 {offsets = [6, 0, 0], sizes = [1, 128, 256], strides = [1, 1, 1]} : vector<32x128x256xf32> to vector<1x128x256xf32>
    %squeeze3A_52 = vector.shape_cast %slice3A_51 : vector<1x128x256xf32> to vector<128x256xf32>
    %mul3A_53 = vector.broadcast %get3A_50 : f32 to vector<128x256xf32>
    %mul3A_54 = arith.mulf %mul3A_53, %squeeze3A_52 : vector<128x256xf32>
    %add3A_55 = arith.addf %add3A_47, %mul3A_54 : vector<128x256xf32>
    %get3A_56 = arith.constant 0 : index
    %get3A_57 = arith.constant 7 : index
    %get3A_58 = memref.load %arg2[%get3A_56, %get3A_57] : memref<1x32xf32, #tpu.memory_space<smem>>
    %slice3A_59 = vector.extract_strided_slice %get3A_4 {offsets = [7, 0, 0], sizes = [1, 128, 256], strides = [1, 1, 1]} : vector<32x128x256xf32> to vector<1x128x256xf32>
    %squeeze3A_60 = vector.shape_cast %slice3A_59 : vector<1x128x256xf32> to vector<128x256xf32>
    %mul3A_61 = vector.broadcast %get3A_58 : f32 to vector<128x256xf32>
    %mul3A_62 = arith.mulf %mul3A_61, %squeeze3A_60 : vector<128x256xf32>
    %add3A_63 = arith.addf %add3A_55, %mul3A_62 : vector<128x256xf32>
    %get3A_64 = arith.constant 0 : index
    %get3A_65 = arith.constant 8 : index
    %get3A_66 = memref.load %arg2[%get3A_64, %get3A_65] : memref<1x32xf32, #tpu.memory_space<smem>>
    %slice3A_67 = vector.extract_strided_slice %get3A_4 {offsets = [8, 0, 0], sizes = [1, 128, 256], strides = [1, 1, 1]} : vector<32x128x256xf32> to vector<1x128x256xf32>
    %squeeze3A_68 = vector.shape_cast %slice3A_67 : vector<1x128x256xf32> to vector<128x256xf32>
    %mul3A_69 = vector.broadcast %get3A_66 : f32 to vector<128x256xf32>
    %mul3A_70 = arith.mulf %mul3A_69, %squeeze3A_68 : vector<128x256xf32>
    %add3A_71 = arith.addf %add3A_63, %mul3A_70 : vector<128x256xf32>
    %get3A_72 = arith.constant 0 : index
    %get3A_73 = arith.constant 9 : index
    %get3A_74 = memref.load %arg2[%get3A_72, %get3A_73] : memref<1x32xf32, #tpu.memory_space<smem>>
    %slice3A_75 = vector.extract_strided_slice %get3A_4 {offsets = [9, 0, 0], sizes = [1, 128, 256], strides = [1, 1, 1]} : vector<32x128x256xf32> to vector<1x128x256xf32>
    %squeeze3A_76 = vector.shape_cast %slice3A_75 : vector<1x128x256xf32> to vector<128x256xf32>
    %mul3A_77 = vector.broadcast %get3A_74 : f32 to vector<128x256xf32>
    %mul3A_78 = arith.mulf %mul3A_77, %squeeze3A_76 : vector<128x256xf32>
    %add3A_79 = arith.addf %add3A_71, %mul3A_78 : vector<128x256xf32>
    %get3A_80 = arith.constant 0 : index
    %get3A_81 = arith.constant 10 : index
    %get3A_82 = memref.load %arg2[%get3A_80, %get3A_81] : memref<1x32xf32, #tpu.memory_space<smem>>
    %slice3A_83 = vector.extract_strided_slice %get3A_4 {offsets = [10, 0, 0], sizes = [1, 128, 256], strides = [1, 1, 1]} : vector<32x128x256xf32> to vector<1x128x256xf32>
    %squeeze3A_84 = vector.shape_cast %slice3A_83 : vector<1x128x256xf32> to vector<128x256xf32>
    %mul3A_85 = vector.broadcast %get3A_82 : f32 to vector<128x256xf32>
    %mul3A_86 = arith.mulf %mul3A_85, %squeeze3A_84 : vector<128x256xf32>
    %add3A_87 = arith.addf %add3A_79, %mul3A_86 : vector<128x256xf32>
    %get3A_88 = arith.constant 0 : index
    %get3A_89 = arith.constant 11 : index
    %get3A_90 = memref.load %arg2[%get3A_88, %get3A_89] : memref<1x32xf32, #tpu.memory_space<smem>>
    %slice3A_91 = vector.extract_strided_slice %get3A_4 {offsets = [11, 0, 0], sizes = [1, 128, 256], strides = [1, 1, 1]} : vector<32x128x256xf32> to vector<1x128x256xf32>
    %squeeze3A_92 = vector.shape_cast %slice3A_91 : vector<1x128x256xf32> to vector<128x256xf32>
    %mul3A_93 = vector.broadcast %get3A_90 : f32 to vector<128x256xf32>
    %mul3A_94 = arith.mulf %mul3A_93, %squeeze3A_92 : vector<128x256xf32>
    %add3A_95 = arith.addf %add3A_87, %mul3A_94 : vector<128x256xf32>
    %get3A_96 = arith.constant 0 : index
    %get3A_97 = arith.constant 12 : index
    %get3A_98 = memref.load %arg2[%get3A_96, %get3A_97] : memref<1x32xf32, #tpu.memory_space<smem>>
    %slice3A_99 = vector.extract_strided_slice %get3A_4 {offsets = [12, 0, 0], sizes = [1, 128, 256], strides = [1, 1, 1]} : vector<32x128x256xf32> to vector<1x128x256xf32>
    %squeeze3A_100 = vector.shape_cast %slice3A_99 : vector<1x128x256xf32> to vector<128x256xf32>
    %mul3A_101 = vector.broadcast %get3A_98 : f32 to vector<128x256xf32>
    %mul3A_102 = arith.mulf %mul3A_101, %squeeze3A_100 : vector<128x256xf32>
    %add3A_103 = arith.addf %add3A_95, %mul3A_102 : vector<128x256xf32>
    %get3A_104 = arith.constant 0 : index
    %get3A_105 = arith.constant 13 : index
    %get3A_106 = memref.load %arg2[%get3A_104, %get3A_105] : memref<1x32xf32, #tpu.memory_space<smem>>
    %slice3A_107 = vector.extract_strided_slice %get3A_4 {offsets = [13, 0, 0], sizes = [1, 128, 256], strides = [1, 1, 1]} : vector<32x128x256xf32> to vector<1x128x256xf32>
    %squeeze3A_108 = vector.shape_cast %slice3A_107 : vector<1x128x256xf32> to vector<128x256xf32>
    %mul3A_109 = vector.broadcast %get3A_106 : f32 to vector<128x256xf32>
    %mul3A_110 = arith.mulf %mul3A_109, %squeeze3A_108 : vector<128x256xf32>
    %add3A_111 = arith.addf %add3A_103, %mul3A_110 : vector<128x256xf32>
    %get3A_112 = arith.constant 0 : index
    %get3A_113 = arith.constant 14 : index
    %get3A_114 = memref.load %arg2[%get3A_112, %get3A_113] : memref<1x32xf32, #tpu.memory_space<smem>>
    %slice3A_115 = vector.extract_strided_slice %get3A_4 {offsets = [14, 0, 0], sizes = [1, 128, 256], strides = [1, 1, 1]} : vector<32x128x256xf32> to vector<1x128x256xf32>
    %squeeze3A_116 = vector.shape_cast %slice3A_115 : vector<1x128x256xf32> to vector<128x256xf32>
    %mul3A_117 = vector.broadcast %get3A_114 : f32 to vector<128x256xf32>
    %mul3A_118 = arith.mulf %mul3A_117, %squeeze3A_116 : vector<128x256xf32>
    %add3A_119 = arith.addf %add3A_111, %mul3A_118 : vector<128x256xf32>
    %get3A_120 = arith.constant 0 : index
    %get3A_121 = arith.constant 15 : index
    %get3A_122 = memref.load %arg2[%get3A_120, %get3A_121] : memref<1x32xf32, #tpu.memory_space<smem>>
    %slice3A_123 = vector.extract_strided_slice %get3A_4 {offsets = [15, 0, 0], sizes = [1, 128, 256], strides = [1, 1, 1]} : vector<32x128x256xf32> to vector<1x128x256xf32>
    %squeeze3A_124 = vector.shape_cast %slice3A_123 : vector<1x128x256xf32> to vector<128x256xf32>
    %mul3A_125 = vector.broadcast %get3A_122 : f32 to vector<128x256xf32>
    %mul3A_126 = arith.mulf %mul3A_125, %squeeze3A_124 : vector<128x256xf32>
    %add3A_127 = arith.addf %add3A_119, %mul3A_126 : vector<128x256xf32>
    %get3A_128 = arith.constant 0 : index
    %get3A_129 = arith.constant 16 : index
    %get3A_130 = memref.load %arg2[%get3A_128, %get3A_129] : memref<1x32xf32, #tpu.memory_space<smem>>
    %slice3A_131 = vector.extract_strided_slice %get3A_4 {offsets = [16, 0, 0], sizes = [1, 128, 256], strides = [1, 1, 1]} : vector<32x128x256xf32> to vector<1x128x256xf32>
    %squeeze3A_132 = vector.shape_cast %slice3A_131 : vector<1x128x256xf32> to vector<128x256xf32>
    %mul3A_133 = vector.broadcast %get3A_130 : f32 to vector<128x256xf32>
    %mul3A_134 = arith.mulf %mul3A_133, %squeeze3A_132 : vector<128x256xf32>
    %add3A_135 = arith.addf %add3A_127, %mul3A_134 : vector<128x256xf32>
    %get3A_136 = arith.constant 0 : index
    %get3A_137 = arith.constant 17 : index
    %get3A_138 = memref.load %arg2[%get3A_136, %get3A_137] : memref<1x32xf32, #tpu.memory_space<smem>>
    %slice3A_139 = vector.extract_strided_slice %get3A_4 {offsets = [17, 0, 0], sizes = [1, 128, 256], strides = [1, 1, 1]} : vector<32x128x256xf32> to vector<1x128x256xf32>
    %squeeze3A_140 = vector.shape_cast %slice3A_139 : vector<1x128x256xf32> to vector<128x256xf32>
    %mul3A_141 = vector.broadcast %get3A_138 : f32 to vector<128x256xf32>
    %mul3A_142 = arith.mulf %mul3A_141, %squeeze3A_140 : vector<128x256xf32>
    %add3A_143 = arith.addf %add3A_135, %mul3A_142 : vector<128x256xf32>
    %get3A_144 = arith.constant 0 : index
    %get3A_145 = arith.constant 18 : index
    %get3A_146 = memref.load %arg2[%get3A_144, %get3A_145] : memref<1x32xf32, #tpu.memory_space<smem>>
    %slice3A_147 = vector.extract_strided_slice %get3A_4 {offsets = [18, 0, 0], sizes = [1, 128, 256], strides = [1, 1, 1]} : vector<32x128x256xf32> to vector<1x128x256xf32>
    %squeeze3A_148 = vector.shape_cast %slice3A_147 : vector<1x128x256xf32> to vector<128x256xf32>
    %mul3A_149 = vector.broadcast %get3A_146 : f32 to vector<128x256xf32>
    %mul3A_150 = arith.mulf %mul3A_149, %squeeze3A_148 : vector<128x256xf32>
    %add3A_151 = arith.addf %add3A_143, %mul3A_150 : vector<128x256xf32>
    %get3A_152 = arith.constant 0 : index
    %get3A_153 = arith.constant 19 : index
    %get3A_154 = memref.load %arg2[%get3A_152, %get3A_153] : memref<1x32xf32, #tpu.memory_space<smem>>
    %slice3A_155 = vector.extract_strided_slice %get3A_4 {offsets = [19, 0, 0], sizes = [1, 128, 256], strides = [1, 1, 1]} : vector<32x128x256xf32> to vector<1x128x256xf32>
    %squeeze3A_156 = vector.shape_cast %slice3A_155 : vector<1x128x256xf32> to vector<128x256xf32>
    %mul3A_157 = vector.broadcast %get3A_154 : f32 to vector<128x256xf32>
    %mul3A_158 = arith.mulf %mul3A_157, %squeeze3A_156 : vector<128x256xf32>
    %add3A_159 = arith.addf %add3A_151, %mul3A_158 : vector<128x256xf32>
    %get3A_160 = arith.constant 0 : index
    %get3A_161 = arith.constant 20 : index
    %get3A_162 = memref.load %arg2[%get3A_160, %get3A_161] : memref<1x32xf32, #tpu.memory_space<smem>>
    %slice3A_163 = vector.extract_strided_slice %get3A_4 {offsets = [20, 0, 0], sizes = [1, 128, 256], strides = [1, 1, 1]} : vector<32x128x256xf32> to vector<1x128x256xf32>
    %squeeze3A_164 = vector.shape_cast %slice3A_163 : vector<1x128x256xf32> to vector<128x256xf32>
    %mul3A_165 = vector.broadcast %get3A_162 : f32 to vector<128x256xf32>
    %mul3A_166 = arith.mulf %mul3A_165, %squeeze3A_164 : vector<128x256xf32>
    %add3A_167 = arith.addf %add3A_159, %mul3A_166 : vector<128x256xf32>
    %get3A_168 = arith.constant 0 : index
    %get3A_169 = arith.constant 21 : index
    %get3A_170 = memref.load %arg2[%get3A_168, %get3A_169] : memref<1x32xf32, #tpu.memory_space<smem>>
    %slice3A_171 = vector.extract_strided_slice %get3A_4 {offsets = [21, 0, 0], sizes = [1, 128, 256], strides = [1, 1, 1]} : vector<32x128x256xf32> to vector<1x128x256xf32>
    %squeeze3A_172 = vector.shape_cast %slice3A_171 : vector<1x128x256xf32> to vector<128x256xf32>
    %mul3A_173 = vector.broadcast %get3A_170 : f32 to vector<128x256xf32>
    %mul3A_174 = arith.mulf %mul3A_173, %squeeze3A_172 : vector<128x256xf32>
    %add3A_175 = arith.addf %add3A_167, %mul3A_174 : vector<128x256xf32>
    %get3A_176 = arith.constant 0 : index
    %get3A_177 = arith.constant 22 : index
    %get3A_178 = memref.load %arg2[%get3A_176, %get3A_177] : memref<1x32xf32, #tpu.memory_space<smem>>
    %slice3A_179 = vector.extract_strided_slice %get3A_4 {offsets = [22, 0, 0], sizes = [1, 128, 256], strides = [1, 1, 1]} : vector<32x128x256xf32> to vector<1x128x256xf32>
    %squeeze3A_180 = vector.shape_cast %slice3A_179 : vector<1x128x256xf32> to vector<128x256xf32>
    %mul3A_181 = vector.broadcast %get3A_178 : f32 to vector<128x256xf32>
    %mul3A_182 = arith.mulf %mul3A_181, %squeeze3A_180 : vector<128x256xf32>
    %add3A_183 = arith.addf %add3A_175, %mul3A_182 : vector<128x256xf32>
    %get3A_184 = arith.constant 0 : index
    %get3A_185 = arith.constant 23 : index
    %get3A_186 = memref.load %arg2[%get3A_184, %get3A_185] : memref<1x32xf32, #tpu.memory_space<smem>>
    %slice3A_187 = vector.extract_strided_slice %get3A_4 {offsets = [23, 0, 0], sizes = [1, 128, 256], strides = [1, 1, 1]} : vector<32x128x256xf32> to vector<1x128x256xf32>
    %squeeze3A_188 = vector.shape_cast %slice3A_187 : vector<1x128x256xf32> to vector<128x256xf32>
    %mul3A_189 = vector.broadcast %get3A_186 : f32 to vector<128x256xf32>
    %mul3A_190 = arith.mulf %mul3A_189, %squeeze3A_188 : vector<128x256xf32>
    %add3A_191 = arith.addf %add3A_183, %mul3A_190 : vector<128x256xf32>
    %get3A_192 = arith.constant 0 : index
    %get3A_193 = arith.constant 24 : index
    %get3A_194 = memref.load %arg2[%get3A_192, %get3A_193] : memref<1x32xf32, #tpu.memory_space<smem>>
    %slice3A_195 = vector.extract_strided_slice %get3A_4 {offsets = [24, 0, 0], sizes = [1, 128, 256], strides = [1, 1, 1]} : vector<32x128x256xf32> to vector<1x128x256xf32>
    %squeeze3A_196 = vector.shape_cast %slice3A_195 : vector<1x128x256xf32> to vector<128x256xf32>
    %mul3A_197 = vector.broadcast %get3A_194 : f32 to vector<128x256xf32>
    %mul3A_198 = arith.mulf %mul3A_197, %squeeze3A_196 : vector<128x256xf32>
    %add3A_199 = arith.addf %add3A_191, %mul3A_198 : vector<128x256xf32>
    %get3A_200 = arith.constant 0 : index
    %get3A_201 = arith.constant 25 : index
    %get3A_202 = memref.load %arg2[%get3A_200, %get3A_201] : memref<1x32xf32, #tpu.memory_space<smem>>
    %slice3A_203 = vector.extract_strided_slice %get3A_4 {offsets = [25, 0, 0], sizes = [1, 128, 256], strides = [1, 1, 1]} : vector<32x128x256xf32> to vector<1x128x256xf32>
    %squeeze3A_204 = vector.shape_cast %slice3A_203 : vector<1x128x256xf32> to vector<128x256xf32>
    %mul3A_205 = vector.broadcast %get3A_202 : f32 to vector<128x256xf32>
    %mul3A_206 = arith.mulf %mul3A_205, %squeeze3A_204 : vector<128x256xf32>
    %add3A_207 = arith.addf %add3A_199, %mul3A_206 : vector<128x256xf32>
    %get3A_208 = arith.constant 0 : index
    %get3A_209 = arith.constant 26 : index
    %get3A_210 = memref.load %arg2[%get3A_208, %get3A_209] : memref<1x32xf32, #tpu.memory_space<smem>>
    %slice3A_211 = vector.extract_strided_slice %get3A_4 {offsets = [26, 0, 0], sizes = [1, 128, 256], strides = [1, 1, 1]} : vector<32x128x256xf32> to vector<1x128x256xf32>
    %squeeze3A_212 = vector.shape_cast %slice3A_211 : vector<1x128x256xf32> to vector<128x256xf32>
    %mul3A_213 = vector.broadcast %get3A_210 : f32 to vector<128x256xf32>
    %mul3A_214 = arith.mulf %mul3A_213, %squeeze3A_212 : vector<128x256xf32>
    %add3A_215 = arith.addf %add3A_207, %mul3A_214 : vector<128x256xf32>
    %get3A_216 = arith.constant 0 : index
    %get3A_217 = arith.constant 27 : index
    %get3A_218 = memref.load %arg2[%get3A_216, %get3A_217] : memref<1x32xf32, #tpu.memory_space<smem>>
    %slice3A_219 = vector.extract_strided_slice %get3A_4 {offsets = [27, 0, 0], sizes = [1, 128, 256], strides = [1, 1, 1]} : vector<32x128x256xf32> to vector<1x128x256xf32>
    %squeeze3A_220 = vector.shape_cast %slice3A_219 : vector<1x128x256xf32> to vector<128x256xf32>
    %mul3A_221 = vector.broadcast %get3A_218 : f32 to vector<128x256xf32>
    %mul3A_222 = arith.mulf %mul3A_221, %squeeze3A_220 : vector<128x256xf32>
    %add3A_223 = arith.addf %add3A_215, %mul3A_222 : vector<128x256xf32>
    %get3A_224 = arith.constant 0 : index
    %get3A_225 = arith.constant 28 : index
    %get3A_226 = memref.load %arg2[%get3A_224, %get3A_225] : memref<1x32xf32, #tpu.memory_space<smem>>
    %slice3A_227 = vector.extract_strided_slice %get3A_4 {offsets = [28, 0, 0], sizes = [1, 128, 256], strides = [1, 1, 1]} : vector<32x128x256xf32> to vector<1x128x256xf32>
    %squeeze3A_228 = vector.shape_cast %slice3A_227 : vector<1x128x256xf32> to vector<128x256xf32>
    %mul3A_229 = vector.broadcast %get3A_226 : f32 to vector<128x256xf32>
    %mul3A_230 = arith.mulf %mul3A_229, %squeeze3A_228 : vector<128x256xf32>
    %add3A_231 = arith.addf %add3A_223, %mul3A_230 : vector<128x256xf32>
    %get3A_232 = arith.constant 0 : index
    %get3A_233 = arith.constant 29 : index
    %get3A_234 = memref.load %arg2[%get3A_232, %get3A_233] : memref<1x32xf32, #tpu.memory_space<smem>>
    %slice3A_235 = vector.extract_strided_slice %get3A_4 {offsets = [29, 0, 0], sizes = [1, 128, 256], strides = [1, 1, 1]} : vector<32x128x256xf32> to vector<1x128x256xf32>
    %squeeze3A_236 = vector.shape_cast %slice3A_235 : vector<1x128x256xf32> to vector<128x256xf32>
    %mul3A_237 = vector.broadcast %get3A_234 : f32 to vector<128x256xf32>
    %mul3A_238 = arith.mulf %mul3A_237, %squeeze3A_236 : vector<128x256xf32>
    %add3A_239 = arith.addf %add3A_231, %mul3A_238 : vector<128x256xf32>
    %get3A_240 = arith.constant 0 : index
    %get3A_241 = arith.constant 30 : index
    %get3A_242 = memref.load %arg2[%get3A_240, %get3A_241] : memref<1x32xf32, #tpu.memory_space<smem>>
    %slice3A_243 = vector.extract_strided_slice %get3A_4 {offsets = [30, 0, 0], sizes = [1, 128, 256], strides = [1, 1, 1]} : vector<32x128x256xf32> to vector<1x128x256xf32>
    %squeeze3A_244 = vector.shape_cast %slice3A_243 : vector<1x128x256xf32> to vector<128x256xf32>
    %mul3A_245 = vector.broadcast %get3A_242 : f32 to vector<128x256xf32>
    %mul3A_246 = arith.mulf %mul3A_245, %squeeze3A_244 : vector<128x256xf32>
    %add3A_247 = arith.addf %add3A_239, %mul3A_246 : vector<128x256xf32>
    %get3A_248 = arith.constant 0 : index
    %get3A_249 = arith.constant 31 : index
    %get3A_250 = memref.load %arg2[%get3A_248, %get3A_249] : memref<1x32xf32, #tpu.memory_space<smem>>
    %slice3A_251 = vector.extract_strided_slice %get3A_4 {offsets = [31, 0, 0], sizes = [1, 128, 256], strides = [1, 1, 1]} : vector<32x128x256xf32> to vector<1x128x256xf32>
    %squeeze3A_252 = vector.shape_cast %slice3A_251 : vector<1x128x256xf32> to vector<128x256xf32>
    %mul3A_253 = vector.broadcast %get3A_250 : f32 to vector<128x256xf32>
    %mul3A_254 = arith.mulf %mul3A_253, %squeeze3A_252 : vector<128x256xf32>
    %add3A_255 = arith.addf %add3A_247, %mul3A_254 : vector<128x256xf32>
    %slice3A_256 = vector.extract_strided_slice %add3A_255 {offsets = [0, 1], sizes = [128, 255], strides = [1, 1]} : vector<128x256xf32> to vector<128x255xf32>
    %slice3A_257 = vector.extract_strided_slice %add3A_255 {offsets = [0, 255], sizes = [128, 1], strides = [1, 1]} : vector<128x256xf32> to vector<128x1xf32>
    %concatenate3A = tpu.concatenate %slice3A_256, %slice3A_257 in 1 : vector<128x255xf32>, vector<128x1xf32> -> vector<128x256xf32>
    %convert_element_type3A = arith.truncf %add3A_255 : vector<128x256xf32> to vector<128x256xbf16>
    %bitcast_convert_type3A = tpu.bitcast %convert_element_type3A : vector<128x256xbf16> -> vector<128x256xi16>
    %convert_element_type3A_258 = arith.extui %bitcast_convert_type3A : vector<128x256xi16> to vector<128x256xi32>
    %convert_element_type3A_259 = arith.truncf %concatenate3A : vector<128x256xf32> to vector<128x256xbf16>
    %bitcast_convert_type3A_260 = tpu.bitcast %convert_element_type3A_259 : vector<128x256xbf16> -> vector<128x256xi16>
    %convert_element_type3A_261 = arith.extui %bitcast_convert_type3A_260 : vector<128x256xi16> to vector<128x256xi32>
    %shift_left3A = arith.constant 16 : i32
    %shift_left3A_262 = vector.broadcast %shift_left3A : i32 to vector<128x256xi32>
    %shift_left3A_263 = arith.shli %convert_element_type3A_261, %shift_left3A_262 : vector<128x256xi32>
    %or3A = arith.ori %convert_element_type3A_258, %shift_left3A_263 : vector<128x256xi32>
    %bitcast_convert_type3A_264 = tpu.bitcast %or3A : vector<128x256xi32> -> vector<128x256xi32>
    %reshape3A = vector.shape_cast %bitcast_convert_type3A_264 : vector<128x256xi32> to vector<1x1x32768xi32>
    %swap3A = arith.constant 0 : index
    %swap3A_265 = arith.constant 0 : index
    %swap3A_266 = arith.constant 0 : index
    %swap3A_267 = vector.load %arg6[%swap3A, %swap3A_265, %swap3A_266] : memref<1x1x32768xi32, #tpu.memory_space<vmem>>, vector<1x1x32768xi32>
    tpu.vector_store %arg6[%swap3A, %swap3A_265, %swap3A_266], %reshape3A {strides = array<i32>} : memref<1x1x32768xi32, #tpu.memory_space<vmem>>, vector<1x1x32768xi32>,
    %get3A_268 = arith.constant 0 : index
    %get3A_269 = arith.constant 0 : index
    %get3A_270 = arith.constant 0 : index
    %get3A_271 = arith.constant 0 : index
    %get3A_272 = vector.load %arg4[%get3A_268, %get3A_269, %get3A_270, %get3A_271] : memref<1x32x128x256xf32, #tpu.memory_space<vmem>>, vector<1x32x128x256xf32>
    %get3A_273 = vector.shape_cast %get3A_272 : vector<1x32x128x256xf32> to vector<32x128x256xf32>
    %get3A_274 = arith.constant 0 : index
    %get3A_275 = arith.constant 0 : index
    %get3A_276 = memref.load %arg2[%get3A_274, %get3A_275] : memref<1x32xf32, #tpu.memory_space<smem>>
    %slice3A_277 = vector.extract_strided_slice %get3A_273 {offsets = [0, 0, 0], sizes = [1, 128, 256], strides = [1, 1, 1]} : vector<32x128x256xf32> to vector<1x128x256xf32>
    %squeeze3A_278 = vector.shape_cast %slice3A_277 : vector<1x128x256xf32> to vector<128x256xf32>
    %mul3A_279 = vector.broadcast %get3A_276 : f32 to vector<128x256xf32>
    %mul3A_280 = arith.mulf %mul3A_279, %squeeze3A_278 : vector<128x256xf32>
    %get3A_281 = arith.constant 0 : index
    %get3A_282 = arith.constant 1 : index
    %get3A_283 = memref.load %arg2[%get3A_281, %get3A_282] : memref<1x32xf32, #tpu.memory_space<smem>>
    %slice3A_284 = vector.extract_strided_slice %get3A_273 {offsets = [1, 0, 0], sizes = [1, 128, 256], strides = [1, 1, 1]} : vector<32x128x256xf32> to vector<1x128x256xf32>
    %squeeze3A_285 = vector.shape_cast %slice3A_284 : vector<1x128x256xf32> to vector<128x256xf32>
    %mul3A_286 = vector.broadcast %get3A_283 : f32 to vector<128x256xf32>
    %mul3A_287 = arith.mulf %mul3A_286, %squeeze3A_285 : vector<128x256xf32>
    %add3A_288 = arith.addf %mul3A_280, %mul3A_287 : vector<128x256xf32>
    %get3A_289 = arith.constant 0 : index
    %get3A_290 = arith.constant 2 : index
    %get3A_291 = memref.load %arg2[%get3A_289, %get3A_290] : memref<1x32xf32, #tpu.memory_space<smem>>
    %slice3A_292 = vector.extract_strided_slice %get3A_273 {offsets = [2, 0, 0], sizes = [1, 128, 256], strides = [1, 1, 1]} : vector<32x128x256xf32> to vector<1x128x256xf32>
    %squeeze3A_293 = vector.shape_cast %slice3A_292 : vector<1x128x256xf32> to vector<128x256xf32>
    %mul3A_294 = vector.broadcast %get3A_291 : f32 to vector<128x256xf32>
    %mul3A_295 = arith.mulf %mul3A_294, %squeeze3A_293 : vector<128x256xf32>
    %add3A_296 = arith.addf %add3A_288, %mul3A_295 : vector<128x256xf32>
    %get3A_297 = arith.constant 0 : index
    %get3A_298 = arith.constant 3 : index
    %get3A_299 = memref.load %arg2[%get3A_297, %get3A_298] : memref<1x32xf32, #tpu.memory_space<smem>>
    %slice3A_300 = vector.extract_strided_slice %get3A_273 {offsets = [3, 0, 0], sizes = [1, 128, 256], strides = [1, 1, 1]} : vector<32x128x256xf32> to vector<1x128x256xf32>
    %squeeze3A_301 = vector.shape_cast %slice3A_300 : vector<1x128x256xf32> to vector<128x256xf32>
    %mul3A_302 = vector.broadcast %get3A_299 : f32 to vector<128x256xf32>
    %mul3A_303 = arith.mulf %mul3A_302, %squeeze3A_301 : vector<128x256xf32>
    %add3A_304 = arith.addf %add3A_296, %mul3A_303 : vector<128x256xf32>
    %get3A_305 = arith.constant 0 : index
    %get3A_306 = arith.constant 4 : index
    %get3A_307 = memref.load %arg2[%get3A_305, %get3A_306] : memref<1x32xf32, #tpu.memory_space<smem>>
    %slice3A_308 = vector.extract_strided_slice %get3A_273 {offsets = [4, 0, 0], sizes = [1, 128, 256], strides = [1, 1, 1]} : vector<32x128x256xf32> to vector<1x128x256xf32>
    %squeeze3A_309 = vector.shape_cast %slice3A_308 : vector<1x128x256xf32> to vector<128x256xf32>
    %mul3A_310 = vector.broadcast %get3A_307 : f32 to vector<128x256xf32>
    %mul3A_311 = arith.mulf %mul3A_310, %squeeze3A_309 : vector<128x256xf32>
    %add3A_312 = arith.addf %add3A_304, %mul3A_311 : vector<128x256xf32>
    %get3A_313 = arith.constant 0 : index
    %get3A_314 = arith.constant 5 : index
    %get3A_315 = memref.load %arg2[%get3A_313, %get3A_314] : memref<1x32xf32, #tpu.memory_space<smem>>
    %slice3A_316 = vector.extract_strided_slice %get3A_273 {offsets = [5, 0, 0], sizes = [1, 128, 256], strides = [1, 1, 1]} : vector<32x128x256xf32> to vector<1x128x256xf32>
    %squeeze3A_317 = vector.shape_cast %slice3A_316 : vector<1x128x256xf32> to vector<128x256xf32>
    %mul3A_318 = vector.broadcast %get3A_315 : f32 to vector<128x256xf32>
    %mul3A_319 = arith.mulf %mul3A_318, %squeeze3A_317 : vector<128x256xf32>
    %add3A_320 = arith.addf %add3A_312, %mul3A_319 : vector<128x256xf32>
    %get3A_321 = arith.constant 0 : index
    %get3A_322 = arith.constant 6 : index
    %get3A_323 = memref.load %arg2[%get3A_321, %get3A_322] : memref<1x32xf32, #tpu.memory_space<smem>>
    %slice3A_324 = vector.extract_strided_slice %get3A_273 {offsets = [6, 0, 0], sizes = [1, 128, 256], strides = [1, 1, 1]} : vector<32x128x256xf32> to vector<1x128x256xf32>
    %squeeze3A_325 = vector.shape_cast %slice3A_324 : vector<1x128x256xf32> to vector<128x256xf32>
    %mul3A_326 = vector.broadcast %get3A_323 : f32 to vector<128x256xf32>
    %mul3A_327 = arith.mulf %mul3A_326, %squeeze3A_325 : vector<128x256xf32>
    %add3A_328 = arith.addf %add3A_320, %mul3A_327 : vector<128x256xf32>
    %get3A_329 = arith.constant 0 : index
    %get3A_330 = arith.constant 7 : index
    %get3A_331 = memref.load %arg2[%get3A_329, %get3A_330] : memref<1x32xf32, #tpu.memory_space<smem>>
    %slice3A_332 = vector.extract_strided_slice %get3A_273 {offsets = [7, 0, 0], sizes = [1, 128, 256], strides = [1, 1, 1]} : vector<32x128x256xf32> to vector<1x128x256xf32>
    %squeeze3A_333 = vector.shape_cast %slice3A_332 : vector<1x128x256xf32> to vector<128x256xf32>
    %mul3A_334 = vector.broadcast %get3A_331 : f32 to vector<128x256xf32>
    %mul3A_335 = arith.mulf %mul3A_334, %squeeze3A_333 : vector<128x256xf32>
    %add3A_336 = arith.addf %add3A_328, %mul3A_335 : vector<128x256xf32>
    %get3A_337 = arith.constant 0 : index
    %get3A_338 = arith.constant 8 : index
    %get3A_339 = memref.load %arg2[%get3A_337, %get3A_338] : memref<1x32xf32, #tpu.memory_space<smem>>
    %slice3A_340 = vector.extract_strided_slice %get3A_273 {offsets = [8, 0, 0], sizes = [1, 128, 256], strides = [1, 1, 1]} : vector<32x128x256xf32> to vector<1x128x256xf32>
    %squeeze3A_341 = vector.shape_cast %slice3A_340 : vector<1x128x256xf32> to vector<128x256xf32>
    %mul3A_342 = vector.broadcast %get3A_339 : f32 to vector<128x256xf32>
    %mul3A_343 = arith.mulf %mul3A_342, %squeeze3A_341 : vector<128x256xf32>
    %add3A_344 = arith.addf %add3A_336, %mul3A_343 : vector<128x256xf32>
    %get3A_345 = arith.constant 0 : index
    %get3A_346 = arith.constant 9 : index
    %get3A_347 = memref.load %arg2[%get3A_345, %get3A_346] : memref<1x32xf32, #tpu.memory_space<smem>>
    %slice3A_348 = vector.extract_strided_slice %get3A_273 {offsets = [9, 0, 0], sizes = [1, 128, 256], strides = [1, 1, 1]} : vector<32x128x256xf32> to vector<1x128x256xf32>
    %squeeze3A_349 = vector.shape_cast %slice3A_348 : vector<1x128x256xf32> to vector<128x256xf32>
    %mul3A_350 = vector.broadcast %get3A_347 : f32 to vector<128x256xf32>
    %mul3A_351 = arith.mulf %mul3A_350, %squeeze3A_349 : vector<128x256xf32>
    %add3A_352 = arith.addf %add3A_344, %mul3A_351 : vector<128x256xf32>
    %get3A_353 = arith.constant 0 : index
    %get3A_354 = arith.constant 10 : index
    %get3A_355 = memref.load %arg2[%get3A_353, %get3A_354] : memref<1x32xf32, #tpu.memory_space<smem>>
    %slice3A_356 = vector.extract_strided_slice %get3A_273 {offsets = [10, 0, 0], sizes = [1, 128, 256], strides = [1, 1, 1]} : vector<32x128x256xf32> to vector<1x128x256xf32>
    %squeeze3A_357 = vector.shape_cast %slice3A_356 : vector<1x128x256xf32> to vector<128x256xf32>
    %mul3A_358 = vector.broadcast %get3A_355 : f32 to vector<128x256xf32>
    %mul3A_359 = arith.mulf %mul3A_358, %squeeze3A_357 : vector<128x256xf32>
    %add3A_360 = arith.addf %add3A_352, %mul3A_359 : vector<128x256xf32>
    %get3A_361 = arith.constant 0 : index
    %get3A_362 = arith.constant 11 : index
    %get3A_363 = memref.load %arg2[%get3A_361, %get3A_362] : memref<1x32xf32, #tpu.memory_space<smem>>
    %slice3A_364 = vector.extract_strided_slice %get3A_273 {offsets = [11, 0, 0], sizes = [1, 128, 256], strides = [1, 1, 1]} : vector<32x128x256xf32> to vector<1x128x256xf32>
    %squeeze3A_365 = vector.shape_cast %slice3A_364 : vector<1x128x256xf32> to vector<128x256xf32>
    %mul3A_366 = vector.broadcast %get3A_363 : f32 to vector<128x256xf32>
    %mul3A_367 = arith.mulf %mul3A_366, %squeeze3A_365 : vector<128x256xf32>
    %add3A_368 = arith.addf %add3A_360, %mul3A_367 : vector<128x256xf32>
    %get3A_369 = arith.constant 0 : index
    %get3A_370 = arith.constant 12 : index
    %get3A_371 = memref.load %arg2[%get3A_369, %get3A_370] : memref<1x32xf32, #tpu.memory_space<smem>>
    %slice3A_372 = vector.extract_strided_slice %get3A_273 {offsets = [12, 0, 0], sizes = [1, 128, 256], strides = [1, 1, 1]} : vector<32x128x256xf32> to vector<1x128x256xf32>
    %squeeze3A_373 = vector.shape_cast %slice3A_372 : vector<1x128x256xf32> to vector<128x256xf32>
    %mul3A_374 = vector.broadcast %get3A_371 : f32 to vector<128x256xf32>
    %mul3A_375 = arith.mulf %mul3A_374, %squeeze3A_373 : vector<128x256xf32>
    %add3A_376 = arith.addf %add3A_368, %mul3A_375 : vector<128x256xf32>
    %get3A_377 = arith.constant 0 : index
    %get3A_378 = arith.constant 13 : index
    %get3A_379 = memref.load %arg2[%get3A_377, %get3A_378] : memref<1x32xf32, #tpu.memory_space<smem>>
    %slice3A_380 = vector.extract_strided_slice %get3A_273 {offsets = [13, 0, 0], sizes = [1, 128, 256], strides = [1, 1, 1]} : vector<32x128x256xf32> to vector<1x128x256xf32>
    %squeeze3A_381 = vector.shape_cast %slice3A_380 : vector<1x128x256xf32> to vector<128x256xf32>
    %mul3A_382 = vector.broadcast %get3A_379 : f32 to vector<128x256xf32>
    %mul3A_383 = arith.mulf %mul3A_382, %squeeze3A_381 : vector<128x256xf32>
    %add3A_384 = arith.addf %add3A_376, %mul3A_383 : vector<128x256xf32>
    %get3A_385 = arith.constant 0 : index
    %get3A_386 = arith.constant 14 : index
    %get3A_387 = memref.load %arg2[%get3A_385, %get3A_386] : memref<1x32xf32, #tpu.memory_space<smem>>
    %slice3A_388 = vector.extract_strided_slice %get3A_273 {offsets = [14, 0, 0], sizes = [1, 128, 256], strides = [1, 1, 1]} : vector<32x128x256xf32> to vector<1x128x256xf32>
    %squeeze3A_389 = vector.shape_cast %slice3A_388 : vector<1x128x256xf32> to vector<128x256xf32>
    %mul3A_390 = vector.broadcast %get3A_387 : f32 to vector<128x256xf32>
    %mul3A_391 = arith.mulf %mul3A_390, %squeeze3A_389 : vector<128x256xf32>
    %add3A_392 = arith.addf %add3A_384, %mul3A_391 : vector<128x256xf32>
    %get3A_393 = arith.constant 0 : index
    %get3A_394 = arith.constant 15 : index
    %get3A_395 = memref.load %arg2[%get3A_393, %get3A_394] : memref<1x32xf32, #tpu.memory_space<smem>>
    %slice3A_396 = vector.extract_strided_slice %get3A_273 {offsets = [15, 0, 0], sizes = [1, 128, 256], strides = [1, 1, 1]} : vector<32x128x256xf32> to vector<1x128x256xf32>
    %squeeze3A_397 = vector.shape_cast %slice3A_396 : vector<1x128x256xf32> to vector<128x256xf32>
    %mul3A_398 = vector.broadcast %get3A_395 : f32 to vector<128x256xf32>
    %mul3A_399 = arith.mulf %mul3A_398, %squeeze3A_397 : vector<128x256xf32>
    %add3A_400 = arith.addf %add3A_392, %mul3A_399 : vector<128x256xf32>
    %get3A_401 = arith.constant 0 : index
    %get3A_402 = arith.constant 16 : index
    %get3A_403 = memref.load %arg2[%get3A_401, %get3A_402] : memref<1x32xf32, #tpu.memory_space<smem>>
    %slice3A_404 = vector.extract_strided_slice %get3A_273 {offsets = [16, 0, 0], sizes = [1, 128, 256], strides = [1, 1, 1]} : vector<32x128x256xf32> to vector<1x128x256xf32>
    %squeeze3A_405 = vector.shape_cast %slice3A_404 : vector<1x128x256xf32> to vector<128x256xf32>
    %mul3A_406 = vector.broadcast %get3A_403 : f32 to vector<128x256xf32>
    %mul3A_407 = arith.mulf %mul3A_406, %squeeze3A_405 : vector<128x256xf32>
    %add3A_408 = arith.addf %add3A_400, %mul3A_407 : vector<128x256xf32>
    %get3A_409 = arith.constant 0 : index
    %get3A_410 = arith.constant 17 : index
    %get3A_411 = memref.load %arg2[%get3A_409, %get3A_410] : memref<1x32xf32, #tpu.memory_space<smem>>
    %slice3A_412 = vector.extract_strided_slice %get3A_273 {offsets = [17, 0, 0], sizes = [1, 128, 256], strides = [1, 1, 1]} : vector<32x128x256xf32> to vector<1x128x256xf32>
    %squeeze3A_413 = vector.shape_cast %slice3A_412 : vector<1x128x256xf32> to vector<128x256xf32>
    %mul3A_414 = vector.broadcast %get3A_411 : f32 to vector<128x256xf32>
    %mul3A_415 = arith.mulf %mul3A_414, %squeeze3A_413 : vector<128x256xf32>
    %add3A_416 = arith.addf %add3A_408, %mul3A_415 : vector<128x256xf32>
    %get3A_417 = arith.constant 0 : index
    %get3A_418 = arith.constant 18 : index
    %get3A_419 = memref.load %arg2[%get3A_417, %get3A_418] : memref<1x32xf32, #tpu.memory_space<smem>>
    %slice3A_420 = vector.extract_strided_slice %get3A_273 {offsets = [18, 0, 0], sizes = [1, 128, 256], strides = [1, 1, 1]} : vector<32x128x256xf32> to vector<1x128x256xf32>
    %squeeze3A_421 = vector.shape_cast %slice3A_420 : vector<1x128x256xf32> to vector<128x256xf32>
    %mul3A_422 = vector.broadcast %get3A_419 : f32 to vector<128x256xf32>
    %mul3A_423 = arith.mulf %mul3A_422, %squeeze3A_421 : vector<128x256xf32>
    %add3A_424 = arith.addf %add3A_416, %mul3A_423 : vector<128x256xf32>
    %get3A_425 = arith.constant 0 : index
    %get3A_426 = arith.constant 19 : index
    %get3A_427 = memref.load %arg2[%get3A_425, %get3A_426] : memref<1x32xf32, #tpu.memory_space<smem>>
    %slice3A_428 = vector.extract_strided_slice %get3A_273 {offsets = [19, 0, 0], sizes = [1, 128, 256], strides = [1, 1, 1]} : vector<32x128x256xf32> to vector<1x128x256xf32>
    %squeeze3A_429 = vector.shape_cast %slice3A_428 : vector<1x128x256xf32> to vector<128x256xf32>
    %mul3A_430 = vector.broadcast %get3A_427 : f32 to vector<128x256xf32>
    %mul3A_431 = arith.mulf %mul3A_430, %squeeze3A_429 : vector<128x256xf32>
    %add3A_432 = arith.addf %add3A_424, %mul3A_431 : vector<128x256xf32>
    %get3A_433 = arith.constant 0 : index
    %get3A_434 = arith.constant 20 : index
    %get3A_435 = memref.load %arg2[%get3A_433, %get3A_434] : memref<1x32xf32, #tpu.memory_space<smem>>
    %slice3A_436 = vector.extract_strided_slice %get3A_273 {offsets = [20, 0, 0], sizes = [1, 128, 256], strides = [1, 1, 1]} : vector<32x128x256xf32> to vector<1x128x256xf32>
    %squeeze3A_437 = vector.shape_cast %slice3A_436 : vector<1x128x256xf32> to vector<128x256xf32>
    %mul3A_438 = vector.broadcast %get3A_435 : f32 to vector<128x256xf32>
    %mul3A_439 = arith.mulf %mul3A_438, %squeeze3A_437 : vector<128x256xf32>
    %add3A_440 = arith.addf %add3A_432, %mul3A_439 : vector<128x256xf32>
    %get3A_441 = arith.constant 0 : index
    %get3A_442 = arith.constant 21 : index
    %get3A_443 = memref.load %arg2[%get3A_441, %get3A_442] : memref<1x32xf32, #tpu.memory_space<smem>>
    %slice3A_444 = vector.extract_strided_slice %get3A_273 {offsets = [21, 0, 0], sizes = [1, 128, 256], strides = [1, 1, 1]} : vector<32x128x256xf32> to vector<1x128x256xf32>
    %squeeze3A_445 = vector.shape_cast %slice3A_444 : vector<1x128x256xf32> to vector<128x256xf32>
    %mul3A_446 = vector.broadcast %get3A_443 : f32 to vector<128x256xf32>
    %mul3A_447 = arith.mulf %mul3A_446, %squeeze3A_445 : vector<128x256xf32>
    %add3A_448 = arith.addf %add3A_440, %mul3A_447 : vector<128x256xf32>
    %get3A_449 = arith.constant 0 : index
    %get3A_450 = arith.constant 22 : index
    %get3A_451 = memref.load %arg2[%get3A_449, %get3A_450] : memref<1x32xf32, #tpu.memory_space<smem>>
    %slice3A_452 = vector.extract_strided_slice %get3A_273 {offsets = [22, 0, 0], sizes = [1, 128, 256], strides = [1, 1, 1]} : vector<32x128x256xf32> to vector<1x128x256xf32>
    %squeeze3A_453 = vector.shape_cast %slice3A_452 : vector<1x128x256xf32> to vector<128x256xf32>
    %mul3A_454 = vector.broadcast %get3A_451 : f32 to vector<128x256xf32>
    %mul3A_455 = arith.mulf %mul3A_454, %squeeze3A_453 : vector<128x256xf32>
    %add3A_456 = arith.addf %add3A_448, %mul3A_455 : vector<128x256xf32>
    %get3A_457 = arith.constant 0 : index
    %get3A_458 = arith.constant 23 : index
    %get3A_459 = memref.load %arg2[%get3A_457, %get3A_458] : memref<1x32xf32, #tpu.memory_space<smem>>
    %slice3A_460 = vector.extract_strided_slice %get3A_273 {offsets = [23, 0, 0], sizes = [1, 128, 256], strides = [1, 1, 1]} : vector<32x128x256xf32> to vector<1x128x256xf32>
    %squeeze3A_461 = vector.shape_cast %slice3A_460 : vector<1x128x256xf32> to vector<128x256xf32>
    %mul3A_462 = vector.broadcast %get3A_459 : f32 to vector<128x256xf32>
    %mul3A_463 = arith.mulf %mul3A_462, %squeeze3A_461 : vector<128x256xf32>
    %add3A_464 = arith.addf %add3A_456, %mul3A_463 : vector<128x256xf32>
    %get3A_465 = arith.constant 0 : index
    %get3A_466 = arith.constant 24 : index
    %get3A_467 = memref.load %arg2[%get3A_465, %get3A_466] : memref<1x32xf32, #tpu.memory_space<smem>>
    %slice3A_468 = vector.extract_strided_slice %get3A_273 {offsets = [24, 0, 0], sizes = [1, 128, 256], strides = [1, 1, 1]} : vector<32x128x256xf32> to vector<1x128x256xf32>
    %squeeze3A_469 = vector.shape_cast %slice3A_468 : vector<1x128x256xf32> to vector<128x256xf32>
    %mul3A_470 = vector.broadcast %get3A_467 : f32 to vector<128x256xf32>
    %mul3A_471 = arith.mulf %mul3A_470, %squeeze3A_469 : vector<128x256xf32>
    %add3A_472 = arith.addf %add3A_464, %mul3A_471 : vector<128x256xf32>
    %get3A_473 = arith.constant 0 : index
    %get3A_474 = arith.constant 25 : index
    %get3A_475 = memref.load %arg2[%get3A_473, %get3A_474] : memref<1x32xf32, #tpu.memory_space<smem>>
    %slice3A_476 = vector.extract_strided_slice %get3A_273 {offsets = [25, 0, 0], sizes = [1, 128, 256], strides = [1, 1, 1]} : vector<32x128x256xf32> to vector<1x128x256xf32>
    %squeeze3A_477 = vector.shape_cast %slice3A_476 : vector<1x128x256xf32> to vector<128x256xf32>
    %mul3A_478 = vector.broadcast %get3A_475 : f32 to vector<128x256xf32>
    %mul3A_479 = arith.mulf %mul3A_478, %squeeze3A_477 : vector<128x256xf32>
    %add3A_480 = arith.addf %add3A_472, %mul3A_479 : vector<128x256xf32>
    %get3A_481 = arith.constant 0 : index
    %get3A_482 = arith.constant 26 : index
    %get3A_483 = memref.load %arg2[%get3A_481, %get3A_482] : memref<1x32xf32, #tpu.memory_space<smem>>
    %slice3A_484 = vector.extract_strided_slice %get3A_273 {offsets = [26, 0, 0], sizes = [1, 128, 256], strides = [1, 1, 1]} : vector<32x128x256xf32> to vector<1x128x256xf32>
    %squeeze3A_485 = vector.shape_cast %slice3A_484 : vector<1x128x256xf32> to vector<128x256xf32>
    %mul3A_486 = vector.broadcast %get3A_483 : f32 to vector<128x256xf32>
    %mul3A_487 = arith.mulf %mul3A_486, %squeeze3A_485 : vector<128x256xf32>
    %add3A_488 = arith.addf %add3A_480, %mul3A_487 : vector<128x256xf32>
    %get3A_489 = arith.constant 0 : index
    %get3A_490 = arith.constant 27 : index
    %get3A_491 = memref.load %arg2[%get3A_489, %get3A_490] : memref<1x32xf32, #tpu.memory_space<smem>>
    %slice3A_492 = vector.extract_strided_slice %get3A_273 {offsets = [27, 0, 0], sizes = [1, 128, 256], strides = [1, 1, 1]} : vector<32x128x256xf32> to vector<1x128x256xf32>
    %squeeze3A_493 = vector.shape_cast %slice3A_492 : vector<1x128x256xf32> to vector<128x256xf32>
    %mul3A_494 = vector.broadcast %get3A_491 : f32 to vector<128x256xf32>
    %mul3A_495 = arith.mulf %mul3A_494, %squeeze3A_493 : vector<128x256xf32>
    %add3A_496 = arith.addf %add3A_488, %mul3A_495 : vector<128x256xf32>
    %get3A_497 = arith.constant 0 : index
    %get3A_498 = arith.constant 28 : index
    %get3A_499 = memref.load %arg2[%get3A_497, %get3A_498] : memref<1x32xf32, #tpu.memory_space<smem>>
    %slice3A_500 = vector.extract_strided_slice %get3A_273 {offsets = [28, 0, 0], sizes = [1, 128, 256], strides = [1, 1, 1]} : vector<32x128x256xf32> to vector<1x128x256xf32>
    %squeeze3A_501 = vector.shape_cast %slice3A_500 : vector<1x128x256xf32> to vector<128x256xf32>
    %mul3A_502 = vector.broadcast %get3A_499 : f32 to vector<128x256xf32>
    %mul3A_503 = arith.mulf %mul3A_502, %squeeze3A_501 : vector<128x256xf32>
    %add3A_504 = arith.addf %add3A_496, %mul3A_503 : vector<128x256xf32>
    %get3A_505 = arith.constant 0 : index
    %get3A_506 = arith.constant 29 : index
    %get3A_507 = memref.load %arg2[%get3A_505, %get3A_506] : memref<1x32xf32, #tpu.memory_space<smem>>
    %slice3A_508 = vector.extract_strided_slice %get3A_273 {offsets = [29, 0, 0], sizes = [1, 128, 256], strides = [1, 1, 1]} : vector<32x128x256xf32> to vector<1x128x256xf32>
    %squeeze3A_509 = vector.shape_cast %slice3A_508 : vector<1x128x256xf32> to vector<128x256xf32>
    %mul3A_510 = vector.broadcast %get3A_507 : f32 to vector<128x256xf32>
    %mul3A_511 = arith.mulf %mul3A_510, %squeeze3A_509 : vector<128x256xf32>
    %add3A_512 = arith.addf %add3A_504, %mul3A_511 : vector<128x256xf32>
    %get3A_513 = arith.constant 0 : index
    %get3A_514 = arith.constant 30 : index
    %get3A_515 = memref.load %arg2[%get3A_513, %get3A_514] : memref<1x32xf32, #tpu.memory_space<smem>>
    %slice3A_516 = vector.extract_strided_slice %get3A_273 {offsets = [30, 0, 0], sizes = [1, 128, 256], strides = [1, 1, 1]} : vector<32x128x256xf32> to vector<1x128x256xf32>
    %squeeze3A_517 = vector.shape_cast %slice3A_516 : vector<1x128x256xf32> to vector<128x256xf32>
    %mul3A_518 = vector.broadcast %get3A_515 : f32 to vector<128x256xf32>
    %mul3A_519 = arith.mulf %mul3A_518, %squeeze3A_517 : vector<128x256xf32>
    %add3A_520 = arith.addf %add3A_512, %mul3A_519 : vector<128x256xf32>
    %get3A_521 = arith.constant 0 : index
    %get3A_522 = arith.constant 31 : index
    %get3A_523 = memref.load %arg2[%get3A_521, %get3A_522] : memref<1x32xf32, #tpu.memory_space<smem>>
    %slice3A_524 = vector.extract_strided_slice %get3A_273 {offsets = [31, 0, 0], sizes = [1, 128, 256], strides = [1, 1, 1]} : vector<32x128x256xf32> to vector<1x128x256xf32>
    %squeeze3A_525 = vector.shape_cast %slice3A_524 : vector<1x128x256xf32> to vector<128x256xf32>
    %mul3A_526 = vector.broadcast %get3A_523 : f32 to vector<128x256xf32>
    %mul3A_527 = arith.mulf %mul3A_526, %squeeze3A_525 : vector<128x256xf32>
    %add3A_528 = arith.addf %add3A_520, %mul3A_527 : vector<128x256xf32>
    %slice3A_529 = vector.extract_strided_slice %add3A_528 {offsets = [0, 1], sizes = [128, 255], strides = [1, 1]} : vector<128x256xf32> to vector<128x255xf32>
    %slice3A_530 = vector.extract_strided_slice %add3A_528 {offsets = [0, 255], sizes = [128, 1], strides = [1, 1]} : vector<128x256xf32> to vector<128x1xf32>
    %concatenate3A_531 = tpu.concatenate %slice3A_529, %slice3A_530 in 1 : vector<128x255xf32>, vector<128x1xf32> -> vector<128x256xf32>
    %convert_element_type3A_532 = arith.truncf %add3A_528 : vector<128x256xf32> to vector<128x256xbf16>
    %bitcast_convert_type3A_533 = tpu.bitcast %convert_element_type3A_532 : vector<128x256xbf16> -> vector<128x256xi16>
    %convert_element_type3A_534 = arith.extui %bitcast_convert_type3A_533 : vector<128x256xi16> to vector<128x256xi32>
    %convert_element_type3A_535 = arith.truncf %concatenate3A_531 : vector<128x256xf32> to vector<128x256xbf16>
    %bitcast_convert_type3A_536 = tpu.bitcast %convert_element_type3A_535 : vector<128x256xbf16> -> vector<128x256xi16>
    %convert_element_type3A_537 = arith.extui %bitcast_convert_type3A_536 : vector<128x256xi16> to vector<128x256xi32>
    %shift_left3A_538 = arith.constant 16 : i32
    %shift_left3A_539 = vector.broadcast %shift_left3A_538 : i32 to vector<128x256xi32>
    %shift_left3A_540 = arith.shli %convert_element_type3A_537, %shift_left3A_539 : vector<128x256xi32>
    %or3A_541 = arith.ori %convert_element_type3A_534, %shift_left3A_540 : vector<128x256xi32>
    %bitcast_convert_type3A_542 = tpu.bitcast %or3A_541 : vector<128x256xi32> -> vector<128x256xi32>
    %reshape3A_543 = vector.shape_cast %bitcast_convert_type3A_542 : vector<128x256xi32> to vector<1x1x32768xi32>
    %swap3A_544 = arith.constant 0 : index
    %swap3A_545 = arith.constant 0 : index
    %swap3A_546 = arith.constant 0 : index
    %swap3A_547 = vector.load %arg7[%swap3A_544, %swap3A_545, %swap3A_546] : memref<1x1x32768xi32, #tpu.memory_space<vmem>>, vector<1x1x32768xi32>
    tpu.vector_store %arg7[%swap3A_544, %swap3A_545, %swap3A_546], %reshape3A_543 {strides = array<i32>} : memref<1x1x32768xi32, #tpu.memory_space<vmem>>, vector<1x1x32768xi32>,
    %get3A_548 = arith.constant 0 : index
    %get3A_549 = arith.constant 0 : index
    %get3A_550 = arith.constant 0 : index
    %get3A_551 = arith.constant 0 : index
    %get3A_552 = vector.load %arg5[%get3A_548, %get3A_549, %get3A_550, %get3A_551] : memref<1x32x128x256xf32, #tpu.memory_space<vmem>>, vector<1x32x128x256xf32>
    %get3A_553 = vector.shape_cast %get3A_552 : vector<1x32x128x256xf32> to vector<32x128x256xf32>
    %get3A_554 = arith.constant 0 : index
    %get3A_555 = arith.constant 0 : index
    %get3A_556 = memref.load %arg2[%get3A_554, %get3A_555] : memref<1x32xf32, #tpu.memory_space<smem>>
    %slice3A_557 = vector.extract_strided_slice %get3A_553 {offsets = [0, 0, 0], sizes = [1, 128, 256], strides = [1, 1, 1]} : vector<32x128x256xf32> to vector<1x128x256xf32>
    %squeeze3A_558 = vector.shape_cast %slice3A_557 : vector<1x128x256xf32> to vector<128x256xf32>
    %mul3A_559 = vector.broadcast %get3A_556 : f32 to vector<128x256xf32>
    %mul3A_560 = arith.mulf %mul3A_559, %squeeze3A_558 : vector<128x256xf32>
    %get3A_561 = arith.constant 0 : index
    %get3A_562 = arith.constant 1 : index
    %get3A_563 = memref.load %arg2[%get3A_561, %get3A_562] : memref<1x32xf32, #tpu.memory_space<smem>>
    %slice3A_564 = vector.extract_strided_slice %get3A_553 {offsets = [1, 0, 0], sizes = [1, 128, 256], strides = [1, 1, 1]} : vector<32x128x256xf32> to vector<1x128x256xf32>
    %squeeze3A_565 = vector.shape_cast %slice3A_564 : vector<1x128x256xf32> to vector<128x256xf32>
    %mul3A_566 = vector.broadcast %get3A_563 : f32 to vector<128x256xf32>
    %mul3A_567 = arith.mulf %mul3A_566, %squeeze3A_565 : vector<128x256xf32>
    %add3A_568 = arith.addf %mul3A_560, %mul3A_567 : vector<128x256xf32>
    %get3A_569 = arith.constant 0 : index
    %get3A_570 = arith.constant 2 : index
    %get3A_571 = memref.load %arg2[%get3A_569, %get3A_570] : memref<1x32xf32, #tpu.memory_space<smem>>
    %slice3A_572 = vector.extract_strided_slice %get3A_553 {offsets = [2, 0, 0], sizes = [1, 128, 256], strides = [1, 1, 1]} : vector<32x128x256xf32> to vector<1x128x256xf32>
    %squeeze3A_573 = vector.shape_cast %slice3A_572 : vector<1x128x256xf32> to vector<128x256xf32>
    %mul3A_574 = vector.broadcast %get3A_571 : f32 to vector<128x256xf32>
    %mul3A_575 = arith.mulf %mul3A_574, %squeeze3A_573 : vector<128x256xf32>
    %add3A_576 = arith.addf %add3A_568, %mul3A_575 : vector<128x256xf32>
    %get3A_577 = arith.constant 0 : index
    %get3A_578 = arith.constant 3 : index
    %get3A_579 = memref.load %arg2[%get3A_577, %get3A_578] : memref<1x32xf32, #tpu.memory_space<smem>>
    %slice3A_580 = vector.extract_strided_slice %get3A_553 {offsets = [3, 0, 0], sizes = [1, 128, 256], strides = [1, 1, 1]} : vector<32x128x256xf32> to vector<1x128x256xf32>
    %squeeze3A_581 = vector.shape_cast %slice3A_580 : vector<1x128x256xf32> to vector<128x256xf32>
    %mul3A_582 = vector.broadcast %get3A_579 : f32 to vector<128x256xf32>
    %mul3A_583 = arith.mulf %mul3A_582, %squeeze3A_581 : vector<128x256xf32>
    %add3A_584 = arith.addf %add3A_576, %mul3A_583 : vector<128x256xf32>
    %get3A_585 = arith.constant 0 : index
    %get3A_586 = arith.constant 4 : index
    %get3A_587 = memref.load %arg2[%get3A_585, %get3A_586] : memref<1x32xf32, #tpu.memory_space<smem>>
    %slice3A_588 = vector.extract_strided_slice %get3A_553 {offsets = [4, 0, 0], sizes = [1, 128, 256], strides = [1, 1, 1]} : vector<32x128x256xf32> to vector<1x128x256xf32>
    %squeeze3A_589 = vector.shape_cast %slice3A_588 : vector<1x128x256xf32> to vector<128x256xf32>
    %mul3A_590 = vector.broadcast %get3A_587 : f32 to vector<128x256xf32>
    %mul3A_591 = arith.mulf %mul3A_590, %squeeze3A_589 : vector<128x256xf32>
    %add3A_592 = arith.addf %add3A_584, %mul3A_591 : vector<128x256xf32>
    %get3A_593 = arith.constant 0 : index
    %get3A_594 = arith.constant 5 : index
    %get3A_595 = memref.load %arg2[%get3A_593, %get3A_594] : memref<1x32xf32, #tpu.memory_space<smem>>
    %slice3A_596 = vector.extract_strided_slice %get3A_553 {offsets = [5, 0, 0], sizes = [1, 128, 256], strides = [1, 1, 1]} : vector<32x128x256xf32> to vector<1x128x256xf32>
    %squeeze3A_597 = vector.shape_cast %slice3A_596 : vector<1x128x256xf32> to vector<128x256xf32>
    %mul3A_598 = vector.broadcast %get3A_595 : f32 to vector<128x256xf32>
    %mul3A_599 = arith.mulf %mul3A_598, %squeeze3A_597 : vector<128x256xf32>
    %add3A_600 = arith.addf %add3A_592, %mul3A_599 : vector<128x256xf32>
    %get3A_601 = arith.constant 0 : index
    %get3A_602 = arith.constant 6 : index
    %get3A_603 = memref.load %arg2[%get3A_601, %get3A_602] : memref<1x32xf32, #tpu.memory_space<smem>>
    %slice3A_604 = vector.extract_strided_slice %get3A_553 {offsets = [6, 0, 0], sizes = [1, 128, 256], strides = [1, 1, 1]} : vector<32x128x256xf32> to vector<1x128x256xf32>
    %squeeze3A_605 = vector.shape_cast %slice3A_604 : vector<1x128x256xf32> to vector<128x256xf32>
    %mul3A_606 = vector.broadcast %get3A_603 : f32 to vector<128x256xf32>
    %mul3A_607 = arith.mulf %mul3A_606, %squeeze3A_605 : vector<128x256xf32>
    %add3A_608 = arith.addf %add3A_600, %mul3A_607 : vector<128x256xf32>
    %get3A_609 = arith.constant 0 : index
    %get3A_610 = arith.constant 7 : index
    %get3A_611 = memref.load %arg2[%get3A_609, %get3A_610] : memref<1x32xf32, #tpu.memory_space<smem>>
    %slice3A_612 = vector.extract_strided_slice %get3A_553 {offsets = [7, 0, 0], sizes = [1, 128, 256], strides = [1, 1, 1]} : vector<32x128x256xf32> to vector<1x128x256xf32>
    %squeeze3A_613 = vector.shape_cast %slice3A_612 : vector<1x128x256xf32> to vector<128x256xf32>
    %mul3A_614 = vector.broadcast %get3A_611 : f32 to vector<128x256xf32>
    %mul3A_615 = arith.mulf %mul3A_614, %squeeze3A_613 : vector<128x256xf32>
    %add3A_616 = arith.addf %add3A_608, %mul3A_615 : vector<128x256xf32>
    %get3A_617 = arith.constant 0 : index
    %get3A_618 = arith.constant 8 : index
    %get3A_619 = memref.load %arg2[%get3A_617, %get3A_618] : memref<1x32xf32, #tpu.memory_space<smem>>
    %slice3A_620 = vector.extract_strided_slice %get3A_553 {offsets = [8, 0, 0], sizes = [1, 128, 256], strides = [1, 1, 1]} : vector<32x128x256xf32> to vector<1x128x256xf32>
    %squeeze3A_621 = vector.shape_cast %slice3A_620 : vector<1x128x256xf32> to vector<128x256xf32>
    %mul3A_622 = vector.broadcast %get3A_619 : f32 to vector<128x256xf32>
    %mul3A_623 = arith.mulf %mul3A_622, %squeeze3A_621 : vector<128x256xf32>
    %add3A_624 = arith.addf %add3A_616, %mul3A_623 : vector<128x256xf32>
    %get3A_625 = arith.constant 0 : index
    %get3A_626 = arith.constant 9 : index
    %get3A_627 = memref.load %arg2[%get3A_625, %get3A_626] : memref<1x32xf32, #tpu.memory_space<smem>>
    %slice3A_628 = vector.extract_strided_slice %get3A_553 {offsets = [9, 0, 0], sizes = [1, 128, 256], strides = [1, 1, 1]} : vector<32x128x256xf32> to vector<1x128x256xf32>
    %squeeze3A_629 = vector.shape_cast %slice3A_628 : vector<1x128x256xf32> to vector<128x256xf32>
    %mul3A_630 = vector.broadcast %get3A_627 : f32 to vector<128x256xf32>
    %mul3A_631 = arith.mulf %mul3A_630, %squeeze3A_629 : vector<128x256xf32>
    %add3A_632 = arith.addf %add3A_624, %mul3A_631 : vector<128x256xf32>
    %get3A_633 = arith.constant 0 : index
    %get3A_634 = arith.constant 10 : index
    %get3A_635 = memref.load %arg2[%get3A_633, %get3A_634] : memref<1x32xf32, #tpu.memory_space<smem>>
    %slice3A_636 = vector.extract_strided_slice %get3A_553 {offsets = [10, 0, 0], sizes = [1, 128, 256], strides = [1, 1, 1]} : vector<32x128x256xf32> to vector<1x128x256xf32>
    %squeeze3A_637 = vector.shape_cast %slice3A_636 : vector<1x128x256xf32> to vector<128x256xf32>
    %mul3A_638 = vector.broadcast %get3A_635 : f32 to vector<128x256xf32>
    %mul3A_639 = arith.mulf %mul3A_638, %squeeze3A_637 : vector<128x256xf32>
    %add3A_640 = arith.addf %add3A_632, %mul3A_639 : vector<128x256xf32>
    %get3A_641 = arith.constant 0 : index
    %get3A_642 = arith.constant 11 : index
    %get3A_643 = memref.load %arg2[%get3A_641, %get3A_642] : memref<1x32xf32, #tpu.memory_space<smem>>
    %slice3A_644 = vector.extract_strided_slice %get3A_553 {offsets = [11, 0, 0], sizes = [1, 128, 256], strides = [1, 1, 1]} : vector<32x128x256xf32> to vector<1x128x256xf32>
    %squeeze3A_645 = vector.shape_cast %slice3A_644 : vector<1x128x256xf32> to vector<128x256xf32>
    %mul3A_646 = vector.broadcast %get3A_643 : f32 to vector<128x256xf32>
    %mul3A_647 = arith.mulf %mul3A_646, %squeeze3A_645 : vector<128x256xf32>
    %add3A_648 = arith.addf %add3A_640, %mul3A_647 : vector<128x256xf32>
    %get3A_649 = arith.constant 0 : index
    %get3A_650 = arith.constant 12 : index
    %get3A_651 = memref.load %arg2[%get3A_649, %get3A_650] : memref<1x32xf32, #tpu.memory_space<smem>>
    %slice3A_652 = vector.extract_strided_slice %get3A_553 {offsets = [12, 0, 0], sizes = [1, 128, 256], strides = [1, 1, 1]} : vector<32x128x256xf32> to vector<1x128x256xf32>
    %squeeze3A_653 = vector.shape_cast %slice3A_652 : vector<1x128x256xf32> to vector<128x256xf32>
    %mul3A_654 = vector.broadcast %get3A_651 : f32 to vector<128x256xf32>
    %mul3A_655 = arith.mulf %mul3A_654, %squeeze3A_653 : vector<128x256xf32>
    %add3A_656 = arith.addf %add3A_648, %mul3A_655 : vector<128x256xf32>
    %get3A_657 = arith.constant 0 : index
    %get3A_658 = arith.constant 13 : index
    %get3A_659 = memref.load %arg2[%get3A_657, %get3A_658] : memref<1x32xf32, #tpu.memory_space<smem>>
    %slice3A_660 = vector.extract_strided_slice %get3A_553 {offsets = [13, 0, 0], sizes = [1, 128, 256], strides = [1, 1, 1]} : vector<32x128x256xf32> to vector<1x128x256xf32>
    %squeeze3A_661 = vector.shape_cast %slice3A_660 : vector<1x128x256xf32> to vector<128x256xf32>
    %mul3A_662 = vector.broadcast %get3A_659 : f32 to vector<128x256xf32>
    %mul3A_663 = arith.mulf %mul3A_662, %squeeze3A_661 : vector<128x256xf32>
    %add3A_664 = arith.addf %add3A_656, %mul3A_663 : vector<128x256xf32>
    %get3A_665 = arith.constant 0 : index
    %get3A_666 = arith.constant 14 : index
    %get3A_667 = memref.load %arg2[%get3A_665, %get3A_666] : memref<1x32xf32, #tpu.memory_space<smem>>
    %slice3A_668 = vector.extract_strided_slice %get3A_553 {offsets = [14, 0, 0], sizes = [1, 128, 256], strides = [1, 1, 1]} : vector<32x128x256xf32> to vector<1x128x256xf32>
    %squeeze3A_669 = vector.shape_cast %slice3A_668 : vector<1x128x256xf32> to vector<128x256xf32>
    %mul3A_670 = vector.broadcast %get3A_667 : f32 to vector<128x256xf32>
    %mul3A_671 = arith.mulf %mul3A_670, %squeeze3A_669 : vector<128x256xf32>
    %add3A_672 = arith.addf %add3A_664, %mul3A_671 : vector<128x256xf32>
    %get3A_673 = arith.constant 0 : index
    %get3A_674 = arith.constant 15 : index
    %get3A_675 = memref.load %arg2[%get3A_673, %get3A_674] : memref<1x32xf32, #tpu.memory_space<smem>>
    %slice3A_676 = vector.extract_strided_slice %get3A_553 {offsets = [15, 0, 0], sizes = [1, 128, 256], strides = [1, 1, 1]} : vector<32x128x256xf32> to vector<1x128x256xf32>
    %squeeze3A_677 = vector.shape_cast %slice3A_676 : vector<1x128x256xf32> to vector<128x256xf32>
    %mul3A_678 = vector.broadcast %get3A_675 : f32 to vector<128x256xf32>
    %mul3A_679 = arith.mulf %mul3A_678, %squeeze3A_677 : vector<128x256xf32>
    %add3A_680 = arith.addf %add3A_672, %mul3A_679 : vector<128x256xf32>
    %get3A_681 = arith.constant 0 : index
    %get3A_682 = arith.constant 16 : index
    %get3A_683 = memref.load %arg2[%get3A_681, %get3A_682] : memref<1x32xf32, #tpu.memory_space<smem>>
    %slice3A_684 = vector.extract_strided_slice %get3A_553 {offsets = [16, 0, 0], sizes = [1, 128, 256], strides = [1, 1, 1]} : vector<32x128x256xf32> to vector<1x128x256xf32>
    %squeeze3A_685 = vector.shape_cast %slice3A_684 : vector<1x128x256xf32> to vector<128x256xf32>
    %mul3A_686 = vector.broadcast %get3A_683 : f32 to vector<128x256xf32>
    %mul3A_687 = arith.mulf %mul3A_686, %squeeze3A_685 : vector<128x256xf32>
    %add3A_688 = arith.addf %add3A_680, %mul3A_687 : vector<128x256xf32>
    %get3A_689 = arith.constant 0 : index
    %get3A_690 = arith.constant 17 : index
    %get3A_691 = memref.load %arg2[%get3A_689, %get3A_690] : memref<1x32xf32, #tpu.memory_space<smem>>
    %slice3A_692 = vector.extract_strided_slice %get3A_553 {offsets = [17, 0, 0], sizes = [1, 128, 256], strides = [1, 1, 1]} : vector<32x128x256xf32> to vector<1x128x256xf32>
    %squeeze3A_693 = vector.shape_cast %slice3A_692 : vector<1x128x256xf32> to vector<128x256xf32>
    %mul3A_694 = vector.broadcast %get3A_691 : f32 to vector<128x256xf32>
    %mul3A_695 = arith.mulf %mul3A_694, %squeeze3A_693 : vector<128x256xf32>
    %add3A_696 = arith.addf %add3A_688, %mul3A_695 : vector<128x256xf32>
    %get3A_697 = arith.constant 0 : index
    %get3A_698 = arith.constant 18 : index
    %get3A_699 = memref.load %arg2[%get3A_697, %get3A_698] : memref<1x32xf32, #tpu.memory_space<smem>>
    %slice3A_700 = vector.extract_strided_slice %get3A_553 {offsets = [18, 0, 0], sizes = [1, 128, 256], strides = [1, 1, 1]} : vector<32x128x256xf32> to vector<1x128x256xf32>
    %squeeze3A_701 = vector.shape_cast %slice3A_700 : vector<1x128x256xf32> to vector<128x256xf32>
    %mul3A_702 = vector.broadcast %get3A_699 : f32 to vector<128x256xf32>
    %mul3A_703 = arith.mulf %mul3A_702, %squeeze3A_701 : vector<128x256xf32>
    %add3A_704 = arith.addf %add3A_696, %mul3A_703 : vector<128x256xf32>
    %get3A_705 = arith.constant 0 : index
    %get3A_706 = arith.constant 19 : index
    %get3A_707 = memref.load %arg2[%get3A_705, %get3A_706] : memref<1x32xf32, #tpu.memory_space<smem>>
    %slice3A_708 = vector.extract_strided_slice %get3A_553 {offsets = [19, 0, 0], sizes = [1, 128, 256], strides = [1, 1, 1]} : vector<32x128x256xf32> to vector<1x128x256xf32>
    %squeeze3A_709 = vector.shape_cast %slice3A_708 : vector<1x128x256xf32> to vector<128x256xf32>
    %mul3A_710 = vector.broadcast %get3A_707 : f32 to vector<128x256xf32>
    %mul3A_711 = arith.mulf %mul3A_710, %squeeze3A_709 : vector<128x256xf32>
    %add3A_712 = arith.addf %add3A_704, %mul3A_711 : vector<128x256xf32>
    %get3A_713 = arith.constant 0 : index
    %get3A_714 = arith.constant 20 : index
    %get3A_715 = memref.load %arg2[%get3A_713, %get3A_714] : memref<1x32xf32, #tpu.memory_space<smem>>
    %slice3A_716 = vector.extract_strided_slice %get3A_553 {offsets = [20, 0, 0], sizes = [1, 128, 256], strides = [1, 1, 1]} : vector<32x128x256xf32> to vector<1x128x256xf32>
    %squeeze3A_717 = vector.shape_cast %slice3A_716 : vector<1x128x256xf32> to vector<128x256xf32>
    %mul3A_718 = vector.broadcast %get3A_715 : f32 to vector<128x256xf32>
    %mul3A_719 = arith.mulf %mul3A_718, %squeeze3A_717 : vector<128x256xf32>
    %add3A_720 = arith.addf %add3A_712, %mul3A_719 : vector<128x256xf32>
    %get3A_721 = arith.constant 0 : index
    %get3A_722 = arith.constant 21 : index
    %get3A_723 = memref.load %arg2[%get3A_721, %get3A_722] : memref<1x32xf32, #tpu.memory_space<smem>>
    %slice3A_724 = vector.extract_strided_slice %get3A_553 {offsets = [21, 0, 0], sizes = [1, 128, 256], strides = [1, 1, 1]} : vector<32x128x256xf32> to vector<1x128x256xf32>
    %squeeze3A_725 = vector.shape_cast %slice3A_724 : vector<1x128x256xf32> to vector<128x256xf32>
    %mul3A_726 = vector.broadcast %get3A_723 : f32 to vector<128x256xf32>
    %mul3A_727 = arith.mulf %mul3A_726, %squeeze3A_725 : vector<128x256xf32>
    %add3A_728 = arith.addf %add3A_720, %mul3A_727 : vector<128x256xf32>
    %get3A_729 = arith.constant 0 : index
    %get3A_730 = arith.constant 22 : index
    %get3A_731 = memref.load %arg2[%get3A_729, %get3A_730] : memref<1x32xf32, #tpu.memory_space<smem>>
    %slice3A_732 = vector.extract_strided_slice %get3A_553 {offsets = [22, 0, 0], sizes = [1, 128, 256], strides = [1, 1, 1]} : vector<32x128x256xf32> to vector<1x128x256xf32>
    %squeeze3A_733 = vector.shape_cast %slice3A_732 : vector<1x128x256xf32> to vector<128x256xf32>
    %mul3A_734 = vector.broadcast %get3A_731 : f32 to vector<128x256xf32>
    %mul3A_735 = arith.mulf %mul3A_734, %squeeze3A_733 : vector<128x256xf32>
    %add3A_736 = arith.addf %add3A_728, %mul3A_735 : vector<128x256xf32>
    %get3A_737 = arith.constant 0 : index
    %get3A_738 = arith.constant 23 : index
    %get3A_739 = memref.load %arg2[%get3A_737, %get3A_738] : memref<1x32xf32, #tpu.memory_space<smem>>
    %slice3A_740 = vector.extract_strided_slice %get3A_553 {offsets = [23, 0, 0], sizes = [1, 128, 256], strides = [1, 1, 1]} : vector<32x128x256xf32> to vector<1x128x256xf32>
    %squeeze3A_741 = vector.shape_cast %slice3A_740 : vector<1x128x256xf32> to vector<128x256xf32>
    %mul3A_742 = vector.broadcast %get3A_739 : f32 to vector<128x256xf32>
    %mul3A_743 = arith.mulf %mul3A_742, %squeeze3A_741 : vector<128x256xf32>
    %add3A_744 = arith.addf %add3A_736, %mul3A_743 : vector<128x256xf32>
    %get3A_745 = arith.constant 0 : index
    %get3A_746 = arith.constant 24 : index
    %get3A_747 = memref.load %arg2[%get3A_745, %get3A_746] : memref<1x32xf32, #tpu.memory_space<smem>>
    %slice3A_748 = vector.extract_strided_slice %get3A_553 {offsets = [24, 0, 0], sizes = [1, 128, 256], strides = [1, 1, 1]} : vector<32x128x256xf32> to vector<1x128x256xf32>
    %squeeze3A_749 = vector.shape_cast %slice3A_748 : vector<1x128x256xf32> to vector<128x256xf32>
    %mul3A_750 = vector.broadcast %get3A_747 : f32 to vector<128x256xf32>
    %mul3A_751 = arith.mulf %mul3A_750, %squeeze3A_749 : vector<128x256xf32>
    %add3A_752 = arith.addf %add3A_744, %mul3A_751 : vector<128x256xf32>
    %get3A_753 = arith.constant 0 : index
    %get3A_754 = arith.constant 25 : index
    %get3A_755 = memref.load %arg2[%get3A_753, %get3A_754] : memref<1x32xf32, #tpu.memory_space<smem>>
    %slice3A_756 = vector.extract_strided_slice %get3A_553 {offsets = [25, 0, 0], sizes = [1, 128, 256], strides = [1, 1, 1]} : vector<32x128x256xf32> to vector<1x128x256xf32>
    %squeeze3A_757 = vector.shape_cast %slice3A_756 : vector<1x128x256xf32> to vector<128x256xf32>
    %mul3A_758 = vector.broadcast %get3A_755 : f32 to vector<128x256xf32>
    %mul3A_759 = arith.mulf %mul3A_758, %squeeze3A_757 : vector<128x256xf32>
    %add3A_760 = arith.addf %add3A_752, %mul3A_759 : vector<128x256xf32>
    %get3A_761 = arith.constant 0 : index
    %get3A_762 = arith.constant 26 : index
    %get3A_763 = memref.load %arg2[%get3A_761, %get3A_762] : memref<1x32xf32, #tpu.memory_space<smem>>
    %slice3A_764 = vector.extract_strided_slice %get3A_553 {offsets = [26, 0, 0], sizes = [1, 128, 256], strides = [1, 1, 1]} : vector<32x128x256xf32> to vector<1x128x256xf32>
    %squeeze3A_765 = vector.shape_cast %slice3A_764 : vector<1x128x256xf32> to vector<128x256xf32>
    %mul3A_766 = vector.broadcast %get3A_763 : f32 to vector<128x256xf32>
    %mul3A_767 = arith.mulf %mul3A_766, %squeeze3A_765 : vector<128x256xf32>
    %add3A_768 = arith.addf %add3A_760, %mul3A_767 : vector<128x256xf32>
    %get3A_769 = arith.constant 0 : index
    %get3A_770 = arith.constant 27 : index
    %get3A_771 = memref.load %arg2[%get3A_769, %get3A_770] : memref<1x32xf32, #tpu.memory_space<smem>>
    %slice3A_772 = vector.extract_strided_slice %get3A_553 {offsets = [27, 0, 0], sizes = [1, 128, 256], strides = [1, 1, 1]} : vector<32x128x256xf32> to vector<1x128x256xf32>
    %squeeze3A_773 = vector.shape_cast %slice3A_772 : vector<1x128x256xf32> to vector<128x256xf32>
    %mul3A_774 = vector.broadcast %get3A_771 : f32 to vector<128x256xf32>
    %mul3A_775 = arith.mulf %mul3A_774, %squeeze3A_773 : vector<128x256xf32>
    %add3A_776 = arith.addf %add3A_768, %mul3A_775 : vector<128x256xf32>
    %get3A_777 = arith.constant 0 : index
    %get3A_778 = arith.constant 28 : index
    %get3A_779 = memref.load %arg2[%get3A_777, %get3A_778] : memref<1x32xf32, #tpu.memory_space<smem>>
    %slice3A_780 = vector.extract_strided_slice %get3A_553 {offsets = [28, 0, 0], sizes = [1, 128, 256], strides = [1, 1, 1]} : vector<32x128x256xf32> to vector<1x128x256xf32>
    %squeeze3A_781 = vector.shape_cast %slice3A_780 : vector<1x128x256xf32> to vector<128x256xf32>
    %mul3A_782 = vector.broadcast %get3A_779 : f32 to vector<128x256xf32>
    %mul3A_783 = arith.mulf %mul3A_782, %squeeze3A_781 : vector<128x256xf32>
    %add3A_784 = arith.addf %add3A_776, %mul3A_783 : vector<128x256xf32>
    %get3A_785 = arith.constant 0 : index
    %get3A_786 = arith.constant 29 : index
    %get3A_787 = memref.load %arg2[%get3A_785, %get3A_786] : memref<1x32xf32, #tpu.memory_space<smem>>
    %slice3A_788 = vector.extract_strided_slice %get3A_553 {offsets = [29, 0, 0], sizes = [1, 128, 256], strides = [1, 1, 1]} : vector<32x128x256xf32> to vector<1x128x256xf32>
    %squeeze3A_789 = vector.shape_cast %slice3A_788 : vector<1x128x256xf32> to vector<128x256xf32>
    %mul3A_790 = vector.broadcast %get3A_787 : f32 to vector<128x256xf32>
    %mul3A_791 = arith.mulf %mul3A_790, %squeeze3A_789 : vector<128x256xf32>
    %add3A_792 = arith.addf %add3A_784, %mul3A_791 : vector<128x256xf32>
    %get3A_793 = arith.constant 0 : index
    %get3A_794 = arith.constant 30 : index
    %get3A_795 = memref.load %arg2[%get3A_793, %get3A_794] : memref<1x32xf32, #tpu.memory_space<smem>>
    %slice3A_796 = vector.extract_strided_slice %get3A_553 {offsets = [30, 0, 0], sizes = [1, 128, 256], strides = [1, 1, 1]} : vector<32x128x256xf32> to vector<1x128x256xf32>
    %squeeze3A_797 = vector.shape_cast %slice3A_796 : vector<1x128x256xf32> to vector<128x256xf32>
    %mul3A_798 = vector.broadcast %get3A_795 : f32 to vector<128x256xf32>
    %mul3A_799 = arith.mulf %mul3A_798, %squeeze3A_797 : vector<128x256xf32>
    %add3A_800 = arith.addf %add3A_792, %mul3A_799 : vector<128x256xf32>
    %get3A_801 = arith.constant 0 : index
    %get3A_802 = arith.constant 31 : index
    %get3A_803 = memref.load %arg2[%get3A_801, %get3A_802] : memref<1x32xf32, #tpu.memory_space<smem>>
    %slice3A_804 = vector.extract_strided_slice %get3A_553 {offsets = [31, 0, 0], sizes = [1, 128, 256], strides = [1, 1, 1]} : vector<32x128x256xf32> to vector<1x128x256xf32>
    %squeeze3A_805 = vector.shape_cast %slice3A_804 : vector<1x128x256xf32> to vector<128x256xf32>
    %mul3A_806 = vector.broadcast %get3A_803 : f32 to vector<128x256xf32>
    %mul3A_807 = arith.mulf %mul3A_806, %squeeze3A_805 : vector<128x256xf32>
    %add3A_808 = arith.addf %add3A_800, %mul3A_807 : vector<128x256xf32>
    %slice3A_809 = vector.extract_strided_slice %add3A_808 {offsets = [0, 1], sizes = [128, 255], strides = [1, 1]} : vector<128x256xf32> to vector<128x255xf32>
    %slice3A_810 = vector.extract_strided_slice %add3A_808 {offsets = [0, 255], sizes = [128, 1], strides = [1, 1]} : vector<128x256xf32> to vector<128x1xf32>
    %concatenate3A_811 = tpu.concatenate %slice3A_809, %slice3A_810 in 1 : vector<128x255xf32>, vector<128x1xf32> -> vector<128x256xf32>
    %convert_element_type3A_812 = arith.truncf %add3A_808 : vector<128x256xf32> to vector<128x256xbf16>
    %bitcast_convert_type3A_813 = tpu.bitcast %convert_element_type3A_812 : vector<128x256xbf16> -> vector<128x256xi16>
    %convert_element_type3A_814 = arith.extui %bitcast_convert_type3A_813 : vector<128x256xi16> to vector<128x256xi32>
    %convert_element_type3A_815 = arith.truncf %concatenate3A_811 : vector<128x256xf32> to vector<128x256xbf16>
    %bitcast_convert_type3A_816 = tpu.bitcast %convert_element_type3A_815 : vector<128x256xbf16> -> vector<128x256xi16>
    %convert_element_type3A_817 = arith.extui %bitcast_convert_type3A_816 : vector<128x256xi16> to vector<128x256xi32>
    %shift_left3A_818 = arith.constant 16 : i32
    %shift_left3A_819 = vector.broadcast %shift_left3A_818 : i32 to vector<128x256xi32>
    %shift_left3A_820 = arith.shli %convert_element_type3A_817, %shift_left3A_819 : vector<128x256xi32>
    %or3A_821 = arith.ori %convert_element_type3A_814, %shift_left3A_820 : vector<128x256xi32>
    %bitcast_convert_type3A_822 = tpu.bitcast %or3A_821 : vector<128x256xi32> -> vector<128x256xi32>
    %reshape3A_823 = vector.shape_cast %bitcast_convert_type3A_822 : vector<128x256xi32> to vector<1x1x32768xi32>
    %swap3A_824 = arith.constant 0 : index
    %swap3A_825 = arith.constant 0 : index
    %swap3A_826 = arith.constant 0 : index
    %swap3A_827 = vector.load %arg8[%swap3A_824, %swap3A_825, %swap3A_826] : memref<1x1x32768xi32, #tpu.memory_space<vmem>>, vector<1x1x32768xi32>
    tpu.vector_store %arg8[%swap3A_824, %swap3A_825, %swap3A_826], %reshape3A_823 {strides = array<i32>} : memref<1x1x32768xi32, #tpu.memory_space<vmem>>, vector<1x1x32768xi32>,
    return
  }
  func.func @transform_0(%arg0: i32, %arg1: i32) -> (i32, i32) {
    %c0_i32 = arith.constant 0 : i32
    %c0_i32_0 = arith.constant 0 : i32
    %c0_i32_1 = arith.constant 0 : i32
    return %c0_i32, %c0_i32_0 : i32, i32
  }
  func.func @transform_1(%arg0: i32, %arg1: i32) -> (i32, i32, i32, i32) {
    %c0_i32 = arith.constant 0 : i32
    %c0_i32_0 = arith.constant 0 : i32
    %c0_i32_1 = arith.constant 0 : i32
    return %arg0, %c0_i32, %arg1, %c0_i32_0 : i32, i32, i32, i32
  }
  func.func @transform_2(%arg0: i32, %arg1: i32) -> (i32, i32, i32, i32) {
    %c0_i32 = arith.constant 0 : i32
    %c0_i32_0 = arith.constant 0 : i32
    %c0_i32_1 = arith.constant 0 : i32
    return %arg0, %c0_i32, %arg1, %c0_i32_0 : i32, i32, i32, i32
  }
  func.func @transform_3(%arg0: i32, %arg1: i32) -> (i32, i32, i32, i32) {
    %c0_i32 = arith.constant 0 : i32
    %c0_i32_0 = arith.constant 0 : i32
    %c0_i32_1 = arith.constant 0 : i32
    return %arg0, %c0_i32, %arg1, %c0_i32_0 : i32, i32, i32, i32
  }
  func.func @transform_4(%arg0: i32, %arg1: i32) -> (i32, i32, i32) {
    %c0_i32 = arith.constant 0 : i32
    %c0_i32_0 = arith.constant 0 : i32
    return %arg0, %c0_i32, %arg1 : i32, i32, i32
  }
  func.func @transform_5(%arg0: i32, %arg1: i32) -> (i32, i32, i32) {
    %c0_i32 = arith.constant 0 : i32
    %c0_i32_0 = arith.constant 0 : i32
    return %arg0, %c0_i32, %arg1 : i32, i32, i32
  }
  func.func @transform_6(%arg0: i32, %arg1: i32) -> (i32, i32, i32) {
    %c0_i32 = arith.constant 0 : i32
    %c0_i32_0 = arith.constant 0 : i32
    return %arg0, %c0_i32, %arg1 : i32, i32, i32
  }
}

</mosaic_0001>

<sc_bundles>
// kernel: kernel.4.cloned.1.call-start
scs
__scs_entry_jumppad:
0x0: {  	(pc) =	sbr.rel $0x88, $3  }
0x1: {  	(tag) =	ssettag $0x0;
	lr =	simm.s32 $0x1  }
0x2: {  	[smem:$0x3F9B] =	sst lr;
	_ =	strace $0xD0000000  }
0x3: {  	_ = 	snop  }
0x4: {  	_ = 	snop  }
0x5: {  	_ = 	snop  }
0x6: {  	_ = 	snop  }
0x7: {  	_ = 	snop  }
__scs_overlays_trampoline_lowered:
0x8: {  	[smem:$0x3FAA] =	sst s0  }
0x9: {  	[smem:$0x3FAB] =	sst s1  }
0xa: {  	[smem:$0x3FAC] =	sst s2  }
0xb: {  	[smem:$0x3FAD] =	sst s3  }
0xc: {  	[smem:$0x3FAE] =	sst s4  }
0xd: {  	[smem:$0x3FAF] =	sst s5  }
0xe: {  	[smem:$0x3FB0] =	sst s6  }
0xf: {  	[smem:$0x3FB1] =	sst s7  }
0x10: {  	[smem:$0x3FB2] =	sst s8  }
0x11: {  	[smem:$0x3FB3] =	sst s9;
	s0 =	simm.s32 @!p0 $0x0  }
0x12: {  	s1 =	sld [smem:$0x3F99];
	s0 =	simm.s32 @p0 $0x1  }
0x13: {  	[smem:$0x3FB4] =	sst s0;
	s0 =	simm.s32 @!p1 $0x0  }
0x14: {  	s2 =	sld [smem:$0x3F98];
	s0 =	simm.s32 @p1 $0x1  }
0x15: {  	[smem:$0x3FB5] =	sst s0;
	s0 =	simm.s32 @!p2 $0x0  }
0x16: {  	s3 =	sld [smem:$0x3FDB];
	s0 =	simm.s32 @p2 $0x1  }
0x17: {  	s4 =	simm.s32 $0x1BF5;
	[smem:$0x3FB7] =	sst s0  }
0x18: {  	s0 =	sld [smem:$0x3F9A];
	_ =	swait.ge [sflag:s4], $0x0  }
0x19: {  	s7 =	sld [smem:$0x3F9B]  }
0x1a: {  	s8 =	sadd.s32 $0xFFFFE003, lr  }
0x1b: {  	s9 =	sadd.s32 $0xFFFFFEF7, lr;
	s5 =	simm.s32 $0xFFFFFFFF;
	p2 =	slt.u32 s8, $0xFFFFF086  }
0x1c: {  	p1 =	slt.u32 s9, $0xF7A;
	s5 =	simm.s32 @!p2 $0x0  }
0x1d: {  	s5 =	simm.s32 @p1 $0x1;
	p0 =	seq.s32 s7, s2  }
0x1e: {  	s7 =	smul.u32 @!p0 $0xF7A, s2;
	p2 =	seq.s32 @!p0 s5, $0x0  }
0x1f: {  	s9 =	smul.u32 $0xF7A, s1;
	s8 =	simm.s32 @!p0 $0x1BF5;
	p2 =	por !p2, p0  }
0x20: {  	[sflag:s8] =	ssyncset.s32 @!p0 $0xFFFFF086;
	s6 =	sadd.s32 @!p0 s3, s7;
	s7 =	simm.s32 @!p0 $0x108  }
0x21: {  	s3 =	sadd.s32 s3, s9;
	s6 =	sadd.s32 @!p0 $0x88, s6;
	s7 =	simm.s32 @p2 $0x1082  }
0x22: {  	[simem:s7], [sflag:s8] =	dma.local @!p0 [hbm:s6], $0xF7A  }
0x23: {  	s9 =	sor.u32 $0xD0000000, s2;
	s6 =	simm.s32 $0x108;
	_ =	swait.ge @!p0 [sflag:s8], $0x0  }
0x24: {  	s3 =	sadd.s32 $0x88, s3;
	s6 =	simm.s32 @!p1 $0x1082;
	[sflag:s4] =	ssyncset.s32 $0xFFFFF086  }
0x25: {  	[simem:s6], [sflag:s4] =	dma.local [hbm:s3], $0xF7A  }
0x26: {  	[smem:$0x3F9B] =	sst s1;
	(tag) =	ssettag s2;
	_ =	strace s9  }
0x27: {  	s1 =	sld [smem:$0x3FAB]  }
0x28: {  	s2 =	sld [smem:$0x3FAC]  }
0x29: {  	s4 =	sld [smem:$0x3FAE]  }
0x2a: {  	p0 =	seq.s32 s5, $0x0;
	s5 =	sld [smem:$0x3FAF]  }
0x2b: {  	s6 =	sld [smem:$0x3FB0]  }
0x2c: {  	s7 =	sld [smem:$0x3FB1]  }
0x2d: {  	s3 =	simm.s32 $0x108;
	s8 =	sld [smem:$0x3FB2]  }
0x2e: {  	s3 =	simm.s32 @!p0 $0x1082;
	s9 =	sld [smem:$0x3FB3]  }
0x2f: {  	lr =	sadd.s32 s0, s3;
	s0 =	sld [smem:$0x3FAA]  }
0x30: {  	s3 =	sld [smem:$0x3FAD]  }
0x31: {  	[smem:$0x3FB6] =	sst s10  }
0x32: {  	s10 =	sld [smem:$0x3FB4];
	_ =	sdelay $0x3  }
0x33: {  	p0 =	seq.s32 s10, $0x1;
	s10 =	sld [smem:$0x3FB6];
	_ =	sdelay $0x3  }
0x34: {  	[smem:$0x3FB6] =	sst s10  }
0x35: {  	s10 =	sld [smem:$0x3FB5];
	_ =	sdelay $0x3  }
0x36: {  	p1 =	seq.s32 s10, $0x1;
	s10 =	sld [smem:$0x3FB6];
	_ =	sdelay $0x3  }
0x37: {  	[smem:$0x3FB6] =	sst s10  }
0x38: {  	s10 =	sld [smem:$0x3FB7]  }
0x39: {  	_ = 	snop;
	(pc) =	sbr.ind lr, $3  }
0x3a: {  	_ = 	snop  }
0x3b: {  	_ = 	snop  }
0x3c: {  	p2 =	seq.s32 s10, $0x1;
	s10 =	sld [smem:$0x3FB6]  }
0x3d: {  	_ =	shalt  }
0x3e: {  	_ =	shalt  }
0x3f: {  	_ =	shalt  }
0x40: {  	_ =	shalt  }
0x41: {  	_ =	shalt  }
0x42: {  	_ =	shalt  }
0x43: {  	_ =	shalt  }
0x44: {  	_ =	shalt  }
0x45: {  	_ =	shalt  }
0x46: {  	_ =	shalt  }
0x47: {  	_ =	shalt  }
0x48: {  	_ =	shalt  }
0x49: {  	_ =	shalt  }
0x4a: {  	_ =	shalt  }
0x4b: {  	_ =	shalt  }
0x4c: {  	_ =	shalt  }
0x4d: {  	_ =	shalt  }
0x4e: {  	_ =	shalt  }
0x4f: {  	_ =	shalt  }
0x50: {  	_ =	shalt  }
0x51: {  	_ =	shalt  }
0x52: {  	_ =	shalt  }
0x53: {  	_ =	shalt  }
0x54: {  	_ =	shalt  }
0x55: {  	_ =	shalt  }
0x56: {  	_ =	shalt  }
0x57: {  	_ =	shalt  }
0x58: {  	_ =	shalt  }
0x59: {  	_ =	shalt  }
0x5a: {  	_ =	shalt  }
0x5b: {  	_ =	shalt  }
0x5c: {  	_ =	shalt  }
0x5d: {  	_ =	shalt  }
0x5e: {  	_ =	shalt  }
0x5f: {  	_ =	shalt  }
0x60: {  	_ =	shalt  }
0x61: {  	_ =	shalt  }
0x62: {  	_ =	shalt  }
0x63: {  	_ =	shalt  }
0x64: {  	_ =	shalt  }
0x65: {  	_ =	shalt  }
0x66: {  	_ =	shalt  }
0x67: {  	_ =	shalt  }
0x68: {  	_ =	shalt  }
0x69: {  	_ =	shalt  }
0x6a: {  	_ =	shalt  }
0x6b: {  	_ =	shalt  }
0x6c: {  	_ =	shalt  }
0x6d: {  	_ =	shalt  }
0x6e: {  	_ =	shalt  }
0x6f: {  	_ =	shalt  }
0x70: {  	_ =	shalt  }
0x71: {  	_ =	shalt  }
0x72: {  	_ =	shalt  }
0x73: {  	_ =	shalt  }
0x74: {  	_ =	shalt  }
0x75: {  	_ =	shalt  }
0x76: {  	_ =	shalt  }
0x77: {  	_ =	shalt  }
0x78: {  	_ =	shalt  }
0x79: {  	_ =	shalt  }
0x7a: {  	_ =	shalt  }
0x7b: {  	_ =	shalt  }
0x7c: {  	_ =	shalt  }
0x7d: {  	_ =	shalt  }
0x7e: {  	_ =	shalt  }
0x7f: {  	_ =	shalt  }
0x80: {  	_ =	shalt  }
0x81: {  	_ =	shalt  }
0x82: {  	_ =	shalt  }
0x83: {  	_ =	shalt  }
0x84: {  	_ =	shalt  }
0x85: {  	_ =	shalt  }
0x86: {  	_ =	shalt  }
0x87: {  	_ =	shalt  }
.Lfunc_end0:
.L_simem_size_0:
called_computation_lowered:
.L_overlay_start_0:
0x88: {  	s2 =	sld [smem:$0x3FD9]  }
0x89: {  	s3 =	sld [smem:$0x3FFE];
	_ =	sdelay $0x1  }
0x8a: {  	s1 =	srdreg.scid  }
0x8b: {  	s0 =	sand.u32 $0x1, s1  }
0x8c: {  	s17 =	sshll.u32 s0, $0xA;
	s2 =	sadd.s32 s3, s2  }
0x8d: {  	s2 =	sadd.s32 s2, s17  }
0x8e: {  	[smem:$0x3FC2] =	sst s2  }
0x8f: {  	_ = 	snop  }
0x90: {  	s2 =	sld [smem:$0x3FD0];
	(tm) =	ssettm $0x1  }
0x91: {  	s18 =	sld [smem:$0x3FFB];
	_ =	sdelay $0x3  }
0x92: {  	_ =	strace s18  }
0x93: {  	s3 =	sld [smem:$0x3FFC];
	_ =	sdelay $0x3  }
0x94: {  	_ =	strace s3  }
0x95: {  	s3 =	sld [smem:$0x3FFD];
	_ =	sdelay $0x3  }
0x96: {  	_ =	strace s3  }
0x97: {  	_ =	strace $0x8FFFFFFF  }
0x98: {  	s19 =	sld [smem:$0x3FDB];
	_ =	sdelay $0x1  }
0x99: {  	s4 =	simm.s32 $_scs_section_size  }
0x9a: {  	s5 =	simm.s32 $_size__tile_overlayer_lowered;
	s6 =	simm.s32 $_tile_overlayer_lowered  }
0x9b: {  	s22 =	simm.s32 $0x1BFF;
	s21 =	sshll.u32 s6, $0x1;
	s3 =	sadd.s32 s4, s19  }
0x9c: {  	s7 =	simm.s32 $0x0;
	s20 =	sshll.u32 s5, $0x1;
	s5 =	sadd.s32 s21, s3  }
0x9d: {  	[timem:s7], [sflag:s22] =	dma.local [hbm:s5], s20  }
0x9e: {  	_ =	swait.ge [sflag:s22], s20  }
0x9f: {  	s4 =	ssub.s32 $0x0, s20;
	[sflag:s22] =	ssyncset.done $0x0  }
0xa0: {  	[sflag:s22] =	ssyncadd.s32 s4;
	_ =	sdelay $0x1  }
0xa1: {  	s23 =	simm.s32 $0x1B8B  }
0xa2: {  	_ =	swait.ge [sflag:s23], $0x1  }
0xa3: {  	[sflag:s23] =	ssyncset.done $0x0  }
0xa4: {  	s25 =	simm.s32 $0x1B8E;
	s24 =	sld [smem:$0x3FFE];
	[sflag:s23] =	ssyncadd.s32 $0xFFFFFFFF  }
0xa5: {  	s26 =	simm.s32 $execute0_lowered;
	[smem:$0x3FD2] =	sst s25  }
0xa6: {  	s5 =	sshll.u32 s26, $0x1;
	_ =	strace $0x80000046;
	[dreg:$0x1] =	wrdreg $0xFFFFFFFF  }
0xa7: {  	s28 =	simm.s32 $_size_execute0_lowered;
	s3 =	sadd.s32 s3, s5;
	[dreg:$0x0] =	wrdreg $0x0  }
0xa8: {  	s5 =	sshll.u32 s28, $0x1;
	[dreg:$0x2] =	wrdreg s3  }
0xa9: {  	[dreg:$0x3] =	wrdreg s5  }
0xaa: {  	[dreg:$0x4] =	wrdreg $0xC0  }
0xab: {  	_ =	task [dreg:s7], $0x5FFFF  }
0xac: {  	[dreg:$0x1] =	wrdreg $0xFFFFFFFF  }
0xad: {  	[dreg:$0x0] =	wrdreg $0x60  }
0xae: {  	[dreg:$0x2] =	wrdreg s2  }
0xaf: {  	[dreg:$0x3] =	wrdreg s24  }
0xb0: {  	[dreg:$0x4] =	wrdreg $0x9  }
0xb1: {  	_ =	task.clear_ibuf [dreg:s7], $0x5FFFF;
	_ =	strace $0x90000046  }
0xb2: {  	s29 =	simm.s32 $0x9;
	_ =	strace $0x80000048  }
0xb3: {  	_ =	swait.ge [sflag:s29], $0x1  }
0xb4: {  	[sflag:s29] =	ssyncadd.s32 $0xFFFFFFFF  }
0xb5: {  	_ =	strace $0x90000048  }
0xb6: {  	_ =	sfence  }
0xb7: {  	s30 =	sld [smem:$0x0];
	_ =	sdelay $0x2  }
0xb8: {  	s31 =	sshll.u32 s1, $0xD;
	s1 =	sshrl.u32 s1, $0x2  }
0xb9: {  	s3 =	sand.u32 $0x4000, s31;
	s1 =	sadd.s32 s1, s30  }
0xba: {  	s0 =	sor.u32 s3, s0;
	s1 =	sshll.u32 s1, $0x11  }
0xbb: {  	s0 =	sor.u32 s1, s0  }
0xbc: {  	s0 =	sadd.s32 $0x8F2B, s0  }
0xbd: {  	[sflag:s0] =	ssyncadd.remote.s32 $0x1  }
0xbe: {  	_ =	sfence.sel $0xFFFF  }
0xbf: {  	[dreg:$0x0] =	wrdreg $0xFFFFFFFF;
	(pc) =	sbr.abs _section_cstart, $3  }
0xc0: {  	[dreg:$0x1] =	wrdreg $0xFFFFFFFF  }
0xc1: {  	_ =	task.clear_ibuf [dreg:s7], $0x2FFFF;
	_ =	strace $0x9FFFFFFF  }
0xc2: {  	(tm) =	ssettm $0x7FFFFFFF  }
0xc3: {  	_ =	shalt  }
tec
execute0_lowered:
.L_overlay_start_1:
0x0: {  	(tag) =	ssettag $0x1  }
0x1: {  	s6 =	rddreg [dreg:$0x0]  }
0x2: {  	s4 =	rddreg [dreg:$0x1]  }
0x3: {  	s0 =	rddreg [dreg:$0x2];
	s2 =	simm.s32 $0x0  }
0x4: {  	s1 =	stileid.u32;
	s3 =	srdreg.scid;
	s12 =	simm.s32 $0x1C000  }
0x5: {  	s13 =	simm.s32 $0x1;
	s14 =	simm.s32 $0x10000;
	s15 =	simm.s32 $0x14000  }
0x6: {  	s16 =	simm.s32 $0x18000;
	s17 =	simm.s32 $0x0;
	[smem:$0x7FF] =	sst s2  }
0x7: {  	s5 =	sshll.u32 s1, $0xB;
	s3 =	sand.u32 $0x1, s3;
	s29 =	sshll.u32 s1, $0xC  }
0x8: {  	_ =	strace $0x80000047;
	s7 =	sand.u32 $0x6000, s5;
	s8 =	sshll.u32 s3, $0xB  }
0x9: {  	s30 =	ssub.s32 $0x2, s3;
	s3 =	sadd.s32 $0x40E00, s4;
	s9 =	sadd.s32 s7, s4  }
0xa: {  	s5 =	sor.u32 s8, s29;
	s31 =	sshrl.u32 s30, $0x1;
	s6 =	sadd.s32 s6, s7  }
0xb: {  	s10 =	sadd.s32 s5, s4;
	s11 =	ssub.s32 s30, s31;
	s8 =	sadd.s32 $0x30E00, s9  }
0xc: {  	s9 =	sadd.s32 $0x38E00, s9;
	s4 =	sadd.s32 $0xE00, s10;
	s5 =	sadd.s32 $0x20E00, s10  }
0xd: {  	s7 =	sadd.s32 $0x10E00, s10;
	s10 =	sadd.s32 $0x41000, s10;
	s11 =	smax.u32 s11, $0x1  }
.LBB2_1:
0xe: {  	[tilespmem:s12], [sflag:$0x1] =	stream.linear.gather [hbm4b:s3+s2], $0x200, $0x38;
	[tilespmem:$0x1C200] =	vst v63  }
0xf: {  	_ =	swait.ge [sflag:s13], $0x200  }
0x10: {  	[sflag:s13] =	ssyncset.done $0x0  }
0x11: {  	[sflag:s13] =	ssyncadd.s32 $0xFFFFFE00  }
0x12: {  	[tilespmem:s14], [sflag:$0x1] =	stream.linear.gather [hbm4b:s4+s2], $0x4000, $0x38;
	[tilespmem:$0x1C200] =	vst v63  }
0x13: {  	_ =	swait.ge [sflag:s13], $0x4000  }
0x14: {  	[sflag:s13] =	ssyncset.done $0x0  }
0x15: {  	[sflag:s13] =	ssyncadd.s32 $0xFFFFC000  }
0x16: {  	[tilespmem:s15], [sflag:$0x1] =	stream.linear.gather [hbm4b:s5+s2], $0x4000, $0x38;
	[tilespmem:$0x1C200] =	vst v63  }
0x17: {  	_ =	swait.ge [sflag:s13], $0x4000  }
0x18: {  	[sflag:s13] =	ssyncset.done $0x0  }
0x19: {  	[sflag:s13] =	ssyncadd.s32 $0xFFFFC000  }
0x1a: {  	[tilespmem:s2], [sflag:$0x1] =	stream.linear.gather [hbm4b:s6+s2], $0x10000, $0x38;
	[tilespmem:$0x1C200] =	vst v63  }
0x1b: {  	_ =	swait.ge [sflag:s13], $0x10000  }
0x1c: {  	[sflag:s13] =	ssyncset.done $0x0  }
0x1d: {  	s18 =	simm.s32 $0x14020;
	[sflag:s13] =	ssyncadd.s32 $0xFFFF0000  }
0x1e: {  	s19 =	simm.s32 $0x10020;
	v8 =	vld [tilespmem:s18+$0x10]  }
0x1f: {  	v9 =	vld [tilespmem:s19+$0x10]  }
0x20: {  	v3 =	vld [tilespmem:s18+$0xFFFFFFE0]  }
0x21: {  	v4 =	vld [tilespmem:s18+$0xFFFFFFF0]  }
0x22: {  	v5 =	vld [tilespmem:s18+$0x0]  }
0x23: {  	v7 =	vld [tilespmem:s19+$0xFFFFFFE0]  }
0x24: {  	v2 =	vld [tilespmem:s19+$0xFFFFFFF0]  }
0x25: {  	v6 =	vld [tilespmem:s19+$0x0]  }
0x26: {  	v0 =	vmul.f32 $2.316076350e+02, v8;
	v1 =	vmul.f32 $2.316076350e+02, v9  }
0x27: {  	v10 =	vmul.f32 $2.316076350e+02, v3;
	v11 =	vmul.f32 $2.316076350e+02, v4  }
0x28: {  	v12 =	vmul.f32 $2.316076350e+02, v5;
	v15 =	vmul.f32 $2.316076350e+02, v7  }
0x29: {  	v16 =	vmul.f32 $2.316076350e+02, v2;
	v0 =	vadd.f32 $1.275000000e+02, v0;
	v1 =	vadd.f32 $1.275000000e+02, v1  }
0x2a: {  	v17 =	vmul.f32 $2.316076350e+02, v6;
	v11 =	vadd.f32 $1.275000000e+02, v11;
	v15 =	vadd.f32 $1.275000000e+02, v15  }
0x2b: {  	v16 =	vadd.f32 $1.275000000e+02, v16;
	v13 =	vclamp.gez.f32 v0, $2.549974520e+02;
	v1 =	vclamp.gez.f32 v1, $2.549974520e+02  }
0x2c: {  	v0 =	vadd.f32 $1.275000000e+02, v10;
	v11 =	vclamp.gez.f32 v11, $2.549974520e+02;
	v10 =	vtrunc.f32 v13  }
0x2d: {  	v17 =	vadd.f32 $1.275000000e+02, v17;
	v14 =	vtrunc.f32 v1;
	v10 =	vcvt.f32.s32 v10  }
0x2e: {  	v12 =	vadd.f32 $1.275000000e+02, v12;
	v15 =	vclamp.gez.f32 v15, $2.549974520e+02;
	v14 =	vcvt.f32.s32 v14  }
0x2f: {  	v16 =	vclamp.gez.f32 v16, $2.549974520e+02;
	v17 =	vclamp.gez.f32 v17, $2.549974520e+02;
	v18 =	vshll.u32 v10, $0x8  }
0x30: {  	v23 =	vtrunc.f32 v15;
	v19 =	vclamp.gez.f32 v0, $2.549974520e+02;
	v0 =	vadd.s32 v14, v18  }
0x31: {  	v25 =	vtrunc.f32 v16;
	v20 =	vand.u32 $0x7F, v14;
	v18 =	vand.u32 $0xFFFFFF80, v0  }
0x32: {  	v27 =	vtrunc.f32 v17;
	v23 =	vcvt.f32.s32 v23;
	v18 =	vor.u32 v20, v18  }
0x33: {  	v25 =	vcvt.f32.s32 v25;
	v21 =	vtrunc.f32 v19;
	v18 =	vadd.s32 $0x100, v18  }
0x34: {  	v27 =	vcvt.f32.s32 v27;
	v21 =	vcvt.f32.s32 v21  }
0x35: {  	v29 =	vand.u32 $0x7F, v23;
	v20 =	vclamp.gez.f32 v12, $2.549974520e+02;
	v12 =	vtrunc.f32 v11  }
0x36: {  	v34 =	vand.u32 $0x7F, v25;
	v10 =	vcvt.s32.f32 v10;
	v12 =	vcvt.f32.s32 v12  }
0x37: {  	v52 =	vand.u32 $0x7F, v27;
	v14 =	vcvt.s32.f32 v14;
	v22 =	vtrunc.f32 v20;
	v0 =	vld.idx.msk [tilespmem:v0+s2+$0x0], $0xffff  }
0x38: {  	v24 =	vshll.u32 v21, $0x8;
	v22 =	vcvt.f32.s32 v22;
	v26 =	vshll.u32 v12, $0x8;
	v18 =	vld.idx.msk [tilespmem:v18+s2+$0x0], $0xffff  }
0x39: {  	v24 =	vadd.s32 v23, v24;
	v1 =	vsub.f32 v1, v14;
	v26 =	vadd.s32 v25, v26  }
0x3a: {  	v30 =	vand.u32 $0xFFFFFF80, v24;
	v28 =	vshll.u32 v22, $0x8;
	v31 =	vand.u32 $0xFFFFFF80, v26  }
0x3b: {  	v29 =	vor.u32 v29, v30;
	v28 =	vadd.s32 v27, v28;
	v31 =	vor.u32 v34, v31  }
0x3c: {  	v33 =	vand.u32 $0xFFFFFF80, v28;
	v53 =	vadd.s32 $0x100, v31;
	v14 =	vshll.u32 v0, $0x10  }
0x3d: {  	v0 =	vand.u32 $0xFFFF0000, v0;
	v32 =	vshll.u32 v18, $0x10;
	v18 =	vand.u32 $0xFFFF0000, v18  }
0x3e: {  	v30 =	vor.u32 v52, v33;
	v0 =	vsub.f32 v0, v14;
	v18 =	vsub.f32 v18, v32  }
0x3f: {  	v24 =	vld.idx.msk [tilespmem:v24+s2+$0x0], $0xffff;
	v30 =	vadd.s32 $0x100, v30  }
0x40: {  	v10 =	vsub.f32 v13, v10;
	v26 =	vld.idx.msk [tilespmem:v26+s2+$0x0], $0xffff;
	v0 =	vmul.f32 v1, v0;
	v1 =	vmul.f32 v1, v18  }
0x41: {  	v13 =	vcvt.s32.f32 v27;
	v23 =	vcvt.s32.f32 v23;
	v28 =	vld.idx.msk [tilespmem:v28+s2+$0x0], $0xffff;
	v18 =	vadd.s32 $0x100, v29  }
0x42: {  	v56 =	vld.idx.msk [tilespmem:v53+s2+$0x0], $0xffff;
	v14 =	vadd.f32 v14, v0;
	v1 =	vadd.f32 v32, v1  }
0x43: {  	v13 =	vsub.f32 v17, v13;
	v15 =	vsub.f32 v15, v23;
	v0 =	vld [tilespmem:$0x1C000]  }
0x44: {  	v23 =	vshll.u32 v24, $0x10;
	v24 =	vand.u32 $0xFFFF0000, v24;
	v30 =	vld.idx.msk [tilespmem:v30+s2+$0x0], $0xffff;
	v54 =	vsub.f32 v1, v14  }
0x45: {  	v24 =	vsub.f32 v24, v23;
	v55 =	vshll.u32 v26, $0x10;
	v26 =	vand.u32 $0xFFFF0000, v26  }
0x46: {  	v57 =	vshll.u32 v28, $0x10;
	v28 =	vand.u32 $0xFFFF0000, v28;
	v18 =	vld.idx.msk [tilespmem:v18+s2+$0x0], $0xffff;
	v10 =	vmul.f32 v54, v10  }
0x47: {  	v25 =	vcvt.s32.f32 v25;
	v26 =	vsub.f32 v26, v55;
	v58 =	vsub.f32 v28, v57;
	v1 =	vld [tilespmem:$0x1C100]  }
0x48: {  	v59 =	vshll.u32 v56, $0x10;
	v9 =	vmul.f32 v9, v0;
	v10 =	vadd.f32 v10, v14  }
0x49: {  	v60 =	vand.u32 $0xFFFF0000, v56;
	v61 =	vshll.u32 v30, $0x10;
	v62 =	vand.u32 $0xFFFF0000, v30  }
0x4a: {  	v14 =	vsub.f32 v16, v25;
	v16 =	vmul.f32 v15, v24;
	v9 =	vadd.f32 v10, v9  }
0x4b: {  	v10 =	vcvt.s32.f32 v21;
	v21 =	vshll.u32 v18, $0x10;
	v18 =	vand.u32 $0xFFFF0000, v18  }
0x4c: {  	v7 =	vmul.f32 v7, v0;
	v8 =	vmul.f32 v8, v1;
	v18 =	vsub.f32 v18, v21  }
0x4d: {  	v17 =	vmul.f32 v14, v26;
	v26 =	vsub.f32 v60, v59;
	v16 =	vadd.f32 v23, v16  }
0x4e: {  	v23 =	vmul.f32 v13, v58;
	v15 =	vmul.f32 v15, v18;
	v18 =	vsub.f32 v62, v61  }
0x4f: {  	v17 =	vadd.f32 v55, v17;
	v14 =	vmul.f32 v14, v26;
	v10 =	vsub.f32 v19, v10  }
0x50: {  	s31 =	simm.s32 $0x14060;
	v19 =	vadd.f32 v57, v23;
	v15 =	vadd.f32 v21, v15;
	v13 =	vmul.f32 v13, v18  }
0x51: {  	v23 =	vmul.f32 v3, v1;
	v3 =	vld [tilespmem:s31+$0xFFFFFFF0];
	v14 =	vadd.f32 v59, v14;
	v18 =	vcvt.s32.f32 v12  }
0x52: {  	s18 =	simm.s32 $0x10060;
	v21 =	vcvt.s32.f32 v22;
	v12 =	vld [tilespmem:s31+$0x10];
	v22 =	vadd.f32 v61, v13;
	v15 =	vsub.f32 v15, v16  }
0x53: {  	v14 =	vsub.f32 v14, v17;
	v11 =	vsub.f32 v11, v18;
	v18 =	vmul.f32 v2, v0;
	v13 =	vld [tilespmem:s18+$0x10]  }
0x54: {  	v2 =	vld [tilespmem:s31+$0xFFFFFFE0];
	v22 =	vsub.f32 v22, v19;
	v10 =	vmul.f32 v15, v10;
	v15 =	vmul.f32 v6, v0  }
0x55: {  	v6 =	vsub.f32 v20, v21;
	v11 =	vmul.f32 v14, v11;
	v14 =	vmul.f32 v4, v1;
	v4 =	vld [tilespmem:s31+$0x0]  }
0x56: {  	v20 =	vmul.f32 v5, v1;
	v5 =	vld [tilespmem:s18+$0xFFFFFFF0];
	v21 =	vmul.f32 $2.316076350e+02, v3;
	v10 =	vadd.f32 v10, v16  }
0x57: {  	v16 =	vadd.f32 v9, v8;
	v6 =	vmul.f32 v22, v6;
	v8 =	vmul.f32 $2.316076350e+02, v12  }
0x58: {  	v9 =	vadd.f32 v11, v17;
	v17 =	vmul.f32 $2.316076350e+02, v13;
	v7 =	vadd.f32 v10, v7  }
0x59: {  	v10 =	vadd.f32 v6, v19;
	v8 =	vadd.f32 $1.275000000e+02, v8;
	v19 =	vmul.f32 $2.316076350e+02, v2  }
0x5a: {  	v11 =	vld [tilespmem:s18+$0xFFFFFFE0];
	v18 =	vadd.f32 v9, v18;
	v17 =	vadd.f32 $1.275000000e+02, v17;
	v9 =	vmul.f32 $2.316076350e+02, v4  }
0x5b: {  	v6 =	vld [tilespmem:s18+$0x0];
	v35 =	vmul.f32 $2.316076350e+02, v5;
	v22 =	vclamp.gez.f32 v8, $2.549974520e+02  }
0x5c: {  	v8 =	vadd.f32 v10, v15;
	v23 =	vadd.f32 v7, v23;
	v15 =	vclamp.gez.f32 v17, $2.549974520e+02  }
0x5d: {  	v10 =	vtrunc.f32 v22;
	v17 =	vadd.f32 $1.275000000e+02, v19;
	v9 =	vadd.f32 $1.275000000e+02, v9  }
0x5e: {  	v25 =	vadd.f32 $1.275000000e+02, v35;
	v19 =	vtrunc.f32 v15;
	v63 =	vcvt.f32.s32 v10  }
0x5f: {  	v10 =	vadd.f32 $1.275000000e+02, v21;
	v21 =	vmul.f32 $2.316076350e+02, v11;
	v19 =	vcvt.f32.s32 v19  }
0x60: {  	v14 =	vadd.f32 v18, v14;
	v37 =	vmul.f32 $2.316076350e+02, v6;
	v17 =	vclamp.gez.f32 v17, $2.549974520e+02  }
0x61: {  	v8 =	vadd.f32 v8, v20;
	v9 =	vclamp.gez.f32 v9, $2.549974520e+02;
	v25 =	vclamp.gez.f32 v25, $2.549974520e+02  }
0x62: {  	v36 =	vshll.u32 v63, $0x8;
	v21 =	vadd.f32 $1.275000000e+02, v21;
	v10 =	vclamp.gez.f32 v10, $2.549974520e+02  }
0x63: {  	v40 =	vtrunc.f32 v17;
	v42 =	vtrunc.f32 v9;
	v26 =	vadd.s32 v19, v36  }
0x64: {  	v44 =	vtrunc.f32 v25;
	v39 =	vand.u32 $0x7F, v19;
	v38 =	vand.u32 $0xFFFFFF80, v26  }
0x65: {  	v24 =	vcvt.s32.f32 v63;
	v41 =	vtrunc.f32 v10;
	v28 =	vor.u32 v39, v38  }
0x66: {  	v18 =	vcvt.f32.s32 v40;
	v29 =	vcvt.f32.s32 v42;
	v28 =	vadd.s32 $0x100, v28  }
0x67: {  	v27 =	vadd.f32 $1.275000000e+02, v37;
	v31 =	vcvt.f32.s32 v44;
	v19 =	vcvt.s32.f32 v19  }
0x68: {  	v21 =	vclamp.gez.f32 v21, $2.549974520e+02;
	v20 =	vcvt.f32.s32 v41;
	v22 =	vsub.f32 v22, v24  }
0x69: {  	v27 =	vclamp.gez.f32 v27, $2.549974520e+02;
	v7 =	vtrunc.f32 v21;
	v43 =	vshll.u32 v18, $0x8  }
0x6a: {  	v47 =	vshll.u32 v29, $0x8;
	v15 =	vsub.f32 v15, v19;
	v18 =	vcvt.s32.f32 v18;
	v26 =	vld.idx.msk [tilespmem:v26+s2+$0x0], $0xffff  }
0x6b: {  	v45 =	vcvt.f32.s32 v7;
	v7 =	vshll.u32 v20, $0x8;
	v46 =	vtrunc.f32 v27;
	v28 =	vld.idx.msk [tilespmem:v28+s2+$0x0], $0xffff  }
0x6c: {  	v40 =	vand.u32 $0x7F, v31;
	v33 =	vcvt.f32.s32 v46;
	v37 =	vadd.s32 v31, v7  }
0x6d: {  	v31 =	vcvt.s32.f32 v31;
	v18 =	vsub.f32 v17, v18;
	v30 =	vadd.s32 v45, v43  }
0x6e: {  	v35 =	vand.u32 $0x7F, v45;
	v38 =	vand.u32 $0xFFFFFF80, v37;
	v51 =	vcvt.s32.f32 v45  }
0x6f: {  	v36 =	vand.u32 $0xFFFFFF80, v30;
	v34 =	vadd.s32 v33, v47;
	v19 =	vshll.u32 v26, $0x10  }
0x70: {  	v26 =	vand.u32 $0xFFFF0000, v26;
	v39 =	vshll.u32 v28, $0x10;
	v28 =	vand.u32 $0xFFFF0000, v28  }
0x71: {  	v48 =	vor.u32 v40, v38;
	v26 =	vsub.f32 v26, v19;
	v28 =	vsub.f32 v28, v39  }
0x72: {  	v7 =	vld [tilespmem:$0x1C180];
	v50 =	vand.u32 $0x7F, v33;
	v52 =	vcvt.s32.f32 v33;
	v35 =	vor.u32 v35, v36  }
0x73: {  	v36 =	vadd.s32 $0x100, v48;
	v26 =	vmul.f32 v15, v26;
	v15 =	vmul.f32 v15, v28  }
0x74: {  	v25 =	vsub.f32 v25, v31;
	v49 =	vand.u32 $0xFFFFFF80, v34;
	v35 =	vadd.s32 $0x100, v35;
	v37 =	vld.idx.msk [tilespmem:v37+s2+$0x0], $0xffff  }
0x75: {  	v30 =	vld.idx.msk [tilespmem:v30+s2+$0x0], $0xffff;
	v19 =	vadd.f32 v19, v26;
	v28 =	vor.u32 v50, v49;
	v15 =	vadd.f32 v39, v15  }
0x76: {  	v21 =	vsub.f32 v21, v51;
	v27 =	vsub.f32 v27, v52;
	v28 =	vadd.s32 $0x100, v28  }
0x77: {  	v16 =	vadd.f32 v16, v7;
	v34 =	vld.idx.msk [tilespmem:v34+s2+$0x0], $0xffff;
	v15 =	vsub.f32 v15, v19  }
0x78: {  	v12 =	vmul.f32 v12, v1;
	v23 =	vadd.f32 v23, v7;
	v14 =	vadd.f32 v14, v7;
	v36 =	vld.idx.msk [tilespmem:v36+s2+$0x0], $0xffff  }
0x79: {  	v55 =	vshll.u32 v37, $0x10;
	v56 =	vand.u32 $0xFFFF0000, v37;
	v15 =	vmul.f32 v15, v22;
	v22 =	vld.idx.msk [tilespmem:v35+s2+$0x0], $0xffff  }
0x7a: {  	v53 =	vshll.u32 v30, $0x10;
	v54 =	vand.u32 $0xFFFF0000, v30;
	v33 =	vsub.f32 v56, v55  }
0x7b: {  	v13 =	vmul.f32 v13, v0;
	v26 =	vsub.f32 v54, v53;
	v15 =	vadd.f32 v15, v19;
	v19 =	vld.idx.msk [tilespmem:v28+s2+$0x0], $0xffff  }
0x7c: {  	v57 =	vshll.u32 v34, $0x10;
	v34 =	vand.u32 $0xFFFF0000, v34;
	v59 =	vmul.f32 v25, v33  }
0x7d: {  	s19 =	simm.s32 $0x18020;
	v58 =	vsub.f32 v34, v57;
	v61 =	vand.u32 $0xFFFF0000, v36;
	v13 =	vadd.f32 v15, v13  }
0x7e: {  	[tilespmem:s19+$0x10] =	vst v16;
	v16 =	vadd.f32 v55, v59;
	v60 =	vshll.u32 v22, $0x10;
	v22 =	vand.u32 $0xFFFF0000, v22  }
0x7f: {  	v26 =	vmul.f32 v21, v26;
	v12 =	vadd.f32 v13, v12;
	v13 =	vsub.f32 v22, v60  }
0x80: {  	v22 =	vshll.u32 v36, $0x10;
	v62 =	vshll.u32 v19, $0x10;
	v19 =	vand.u32 $0xFFFF0000, v19  }
0x81: {  	v31 =	vsub.f32 v61, v22;
	v21 =	vmul.f32 v21, v13;
	v63 =	vsub.f32 v19, v62  }
0x82: {  	v12 =	vadd.f32 v12, v7;
	v13 =	vcvt.s32.f32 v20;
	v20 =	vmul.f32 v27, v58  }
0x83: {  	[tilespmem:s19+$0xFFFFFFE0] =	vst v23;
	v19 =	vadd.f32 v60, v21;
	v21 =	vmul.f32 v25, v31;
	v23 =	vmul.f32 v27, v63  }
0x84: {  	s20 =	simm.s32 $0x18060;
	v17 =	vcvt.s32.f32 v29;
	[tilespmem:s19+$0xFFFFFFF0] =	vst v14;
	v15 =	vadd.f32 v53, v26;
	v14 =	vadd.f32 v57, v20  }
0x85: {  	s21 =	simm.s32 $0x4;
	s22 =	simm.s32 $0x140A0;
	[tilespmem:s20+$0x10] =	vst v12;
	v12 =	vmul.f32 v11, v0;
	v20 =	vadd.f32 v22, v21;
	v21 =	vadd.f32 v62, v23  }
.LBB2_2:
0x86: {  	v11 =	vld [tilespmem:s22+$0x10];
	s21 =	sadd.s32 $0x4, s21;
	v19 =	vsub.f32 v19, v15;
	v10 =	vsub.f32 v10, v13;
	v22 =	vmul.f32 v5, v0;
	s18 =	sadd.s32 $0x40, s18  }
0x87: {  	v13 =	vld [tilespmem:s18+$0x10];
	p0 =	slt.u32 s21, $0x3FC;
	v5 =	vsub.f32 v20, v16;
	v20 =	vsub.f32 v21, v14;
	v21 =	vmul.f32 v6, v0  }
0x88: {  	v9 =	vsub.f32 v9, v17;
	v6 =	vmul.f32 v19, v18;
	v18 =	vmul.f32 v2, v1;
	v2 =	vld [tilespmem:s22+$0xFFFFFFE0]  }
0x89: {  	v17 =	vmul.f32 v3, v1;
	v8 =	vadd.f32 v8, v7;
	v10 =	vmul.f32 v5, v10;
	v3 =	vld [tilespmem:s22+$0xFFFFFFF0]  }
0x8a: {  	v19 =	vmul.f32 v4, v1;
	v9 =	vmul.f32 v20, v9;
	v15 =	vadd.f32 v6, v15;
	v4 =	vld [tilespmem:s22+$0x0]  }
0x8b: {  	v5 =	vld [tilespmem:s18+$0xFFFFFFF0];
	v20 =	vmul.f32 $2.316076350e+02, v11;
	v10 =	vadd.f32 v10, v16;
	[tilespmem:s19+$0x0] =	vst v8;
	s19 =	smov.u32 s20  }
0x8c: {  	v9 =	vadd.f32 v9, v14;
	v6 =	vld [tilespmem:s18+$0x0];
	v8 =	vmul.f32 $2.316076350e+02, v13;
	v15 =	vadd.f32 v15, v12  }
0x8d: {  	v12 =	vld [tilespmem:s18+$0xFFFFFFE0];
	v14 =	vmul.f32 $2.316076350e+02, v2;
	v16 =	vadd.f32 $1.275000000e+02, v20;
	v20 =	vadd.f32 v10, v22  }
0x8e: {  	v21 =	vadd.f32 v9, v21;
	v10 =	vmul.f32 $2.316076350e+02, v3;
	v8 =	vadd.f32 $1.275000000e+02, v8  }
0x8f: {  	v9 =	vadd.f32 $1.275000000e+02, v14;
	v14 =	vmul.f32 $2.316076350e+02, v4;
	v16 =	vclamp.gez.f32 v16, $2.549974520e+02  }
0x90: {  	v10 =	vadd.f32 $1.275000000e+02, v10;
	v22 =	vclamp.gez.f32 v8, $2.549974520e+02;
	v8 =	vtrunc.f32 v16  }
0x91: {  	v23 =	vadd.f32 $1.275000000e+02, v14;
	v14 =	vtrunc.f32 v22;
	v24 =	vcvt.f32.s32 v8  }
0x92: {  	v15 =	vadd.f32 v15, v18;
	v8 =	vmul.f32 $2.316076350e+02, v12;
	v25 =	vcvt.f32.s32 v14  }
0x93: {  	v18 =	vmul.f32 $2.316076350e+02, v5;
	v26 =	vmul.f32 $2.316076350e+02, v6;
	v27 =	vshll.u32 v24, $0x8  }
0x94: {  	v14 =	vclamp.gez.f32 v9, $2.549974520e+02;
	v8 =	vadd.f32 $1.275000000e+02, v8;
	v27 =	vadd.s32 v25, v27  }
0x95: {  	v18 =	vadd.f32 $1.275000000e+02, v18;
	v28 =	vand.u32 $0x7F, v25;
	v9 =	vand.u32 $0xFFFFFF80, v27  }
0x96: {  	v10 =	vclamp.gez.f32 v10, $2.549974520e+02;
	v26 =	vadd.f32 $1.275000000e+02, v26;
	v28 =	vor.u32 v28, v9  }
0x97: {  	v29 =	vtrunc.f32 v14;
	v9 =	vclamp.gez.f32 v23, $2.549974520e+02;
	v23 =	vadd.s32 $0x100, v28  }
0x98: {  	v17 =	vadd.f32 v20, v17;
	v28 =	vtrunc.f32 v10;
	v30 =	vtrunc.f32 v9  }
0x99: {  	v18 =	vclamp.gez.f32 v18, $2.549974520e+02;
	v20 =	vclamp.gez.f32 v8, $2.549974520e+02;
	v8 =	vadd.f32 v21, v19  }
0x9a: {  	v15 =	vadd.f32 v15, v7;
	v19 =	vcvt.f32.s32 v29;
	v21 =	vclamp.gez.f32 v26, $2.549974520e+02  }
0x9b: {  	v17 =	vadd.f32 v17, v7;
	v26 =	vcvt.f32.s32 v28;
	v28 =	vcvt.f32.s32 v30;
	v27 =	vld.idx.msk [tilespmem:v27+s2+$0x0], $0xffff  }
0x9c: {  	v31 =	vtrunc.f32 v18;
	v29 =	vtrunc.f32 v20;
	v30 =	vshll.u32 v19, $0x8;
	v23 =	vld.idx.msk [tilespmem:v23+s2+$0x0], $0xffff;
	[tilespmem:s20+$0xFFFFFFE0] =	vst v15  }
0x9d: {  	v32 =	vtrunc.f32 v21;
	v15 =	vcvt.f32.s32 v29;
	v29 =	vshll.u32 v26, $0x8;
	[tilespmem:s20+$0xFFFFFFF0] =	vst v17  }
0x9e: {  	v17 =	vcvt.f32.s32 v31;
	v31 =	vcvt.f32.s32 v32;
	v32 =	vshll.u32 v28, $0x8  }
0x9f: {  	v25 =	vcvt.s32.f32 v25;
	v30 =	vadd.s32 v15, v30;
	v33 =	vand.u32 $0x7F, v15  }
0xa0: {  	v34 =	vand.u32 $0xFFFFFF80, v30;
	v29 =	vadd.s32 v17, v29;
	v32 =	vadd.s32 v31, v32  }
0xa1: {  	v22 =	vsub.f32 v22, v25;
	v35 =	vand.u32 $0xFFFFFF80, v29;
	v25 =	vshll.u32 v27, $0x10  }
0xa2: {  	v27 =	vand.u32 $0xFFFF0000, v27;
	v36 =	vshll.u32 v23, $0x10;
	v23 =	vand.u32 $0xFFFF0000, v23  }
0xa3: {  	v37 =	vand.u32 $0xFFFFFF80, v32;
	v27 =	vsub.f32 v27, v25;
	v23 =	vsub.f32 v23, v36  }
0xa4: {  	v38 =	vand.u32 $0x7F, v31;
	v33 =	vor.u32 v33, v34;
	v34 =	vand.u32 $0x7F, v17;
	v30 =	vld.idx.msk [tilespmem:v30+s2+$0x0], $0xffff  }
0xa5: {  	v34 =	vor.u32 v34, v35;
	v27 =	vmul.f32 v22, v27;
	v22 =	vmul.f32 v22, v23;
	v29 =	vld.idx.msk [tilespmem:v29+s2+$0x0], $0xffff  }
0xa6: {  	v23 =	vadd.s32 $0x100, v33;
	v33 =	vadd.s32 $0x100, v34;
	v34 =	vor.u32 v38, v37;
	v32 =	vld.idx.msk [tilespmem:v32+s2+$0x0], $0xffff  }
0xa7: {  	v24 =	vcvt.s32.f32 v24;
	v25 =	vadd.f32 v25, v27;
	v22 =	vadd.f32 v36, v22  }
0xa8: {  	v15 =	vcvt.s32.f32 v15;
	v17 =	vcvt.s32.f32 v17;
	v27 =	vadd.s32 $0x100, v34  }
0xa9: {  	v16 =	vsub.f32 v16, v24;
	v31 =	vcvt.s32.f32 v31;
	v22 =	vsub.f32 v22, v25  }
0xaa: {  	v20 =	vsub.f32 v20, v15;
	v15 =	vshll.u32 v30, $0x10;
	v24 =	vand.u32 $0xFFFF0000, v30  }
0xab: {  	v30 =	vshll.u32 v29, $0x10;
	v29 =	vand.u32 $0xFFFF0000, v29;
	v16 =	vmul.f32 v22, v16;
	v23 =	vld.idx.msk [tilespmem:v23+s2+$0x0], $0xffff  }
0xac: {  	v22 =	vsub.f32 v24, v15;
	v24 =	vld.idx.msk [tilespmem:v33+s2+$0x0], $0xffff;
	v33 =	vshll.u32 v32, $0x10;
	v32 =	vand.u32 $0xFFFF0000, v32  }
0xad: {  	v13 =	vmul.f32 v13, v0;
	v29 =	vsub.f32 v29, v30;
	v16 =	vadd.f32 v16, v25;
	v27 =	vld.idx.msk [tilespmem:v27+s2+$0x0], $0xffff  }
0xae: {  	v17 =	vsub.f32 v18, v17;
	v22 =	vmul.f32 v20, v22;
	v18 =	vsub.f32 v32, v33  }
0xaf: {  	v11 =	vmul.f32 v11, v1;
	v21 =	vsub.f32 v21, v31;
	v13 =	vadd.f32 v16, v13  }
0xb0: {  	v25 =	vcvt.s32.f32 v19;
	v15 =	vadd.f32 v15, v22;
	v16 =	vmul.f32 v17, v29  }
0xb1: {  	v19 =	vshll.u32 v23, $0x10;
	v22 =	vand.u32 $0xFFFF0000, v23;
	v11 =	vadd.f32 v13, v11  }
0xb2: {  	v13 =	vsub.f32 v22, v19;
	v22 =	vshll.u32 v24, $0x10;
	v23 =	vand.u32 $0xFFFF0000, v24  }
0xb3: {  	v24 =	vshll.u32 v27, $0x10;
	v27 =	vand.u32 $0xFFFF0000, v27;
	v11 =	vadd.f32 v11, v7  }
.Ltmp0:
0xb4: {  	s20 =	sadd.s32 $0x40, s20;
	v23 =	vsub.f32 v23, v22;
	v20 =	vmul.f32 v20, v13;
	v27 =	vsub.f32 v27, v24;
	(pc) =	sbr.rel @p0 .LBB2_2-.Ltmp0, $4  }
0xb5: {  	v16 =	vadd.f32 v30, v16;
	v13 =	vcvt.s32.f32 v26;
	v26 =	vmul.f32 v21, v18;
	[tilespmem:s20+$0x10] =	vst v11  }
0xb6: {  	v19 =	vadd.f32 v19, v20;
	v11 =	vmul.f32 v17, v23;
	v21 =	vmul.f32 v21, v27  }
0xb7: {  	v18 =	vsub.f32 v14, v25;
	v17 =	vcvt.s32.f32 v28;
	v14 =	vadd.f32 v33, v26  }
0xb8: {  	s22 =	sadd.s32 $0x40, s22;
	v12 =	vmul.f32 v12, v0;
	v20 =	vadd.f32 v22, v11;
	v21 =	vadd.f32 v24, v21  }
0xb9: {  	v11 =	vsub.f32 v19, v15  }
0xba: {  	v10 =	vsub.f32 v10, v13;
	v13 =	vsub.f32 v20, v16  }
0xbb: {  	v9 =	vsub.f32 v9, v17;
	v19 =	vsub.f32 v21, v14;
	v11 =	vmul.f32 v11, v18  }
0xbc: {  	v10 =	vmul.f32 v13, v10  }
0xbd: {  	v9 =	vmul.f32 v19, v9;
	v11 =	vadd.f32 v11, v15  }
0xbe: {  	v5 =	vmul.f32 v5, v0;
	v0 =	vmul.f32 v6, v0;
	v6 =	vadd.f32 v10, v16  }
0xbf: {  	v2 =	vmul.f32 v2, v1;
	v9 =	vadd.f32 v9, v14;
	v10 =	vadd.f32 v11, v12  }
0xc0: {  	v3 =	vmul.f32 v3, v1;
	v5 =	vadd.f32 v6, v5  }
0xc1: {  	v1 =	vmul.f32 v4, v1;
	v0 =	vadd.f32 v9, v0;
	v2 =	vadd.f32 v10, v2  }
0xc2: {  	v4 =	vadd.f32 v8, v7;
	v3 =	vadd.f32 v5, v3  }
0xc3: {  	v0 =	vadd.f32 v0, v1;
	v1 =	vadd.f32 v2, v7  }
0xc4: {  	[tilespmem:s19+$0x0] =	vst v4;
	v2 =	vadd.f32 v3, v7  }
0xc5: {  	v0 =	vadd.f32 v0, v7;
	[tilespmem:s20+$0xFFFFFFE0] =	vst v1  }
0xc6: {  	[tilespmem:s20+$0xFFFFFFF0] =	vst v2  }
0xc7: {  	[tilespmem:s20+$0x0] =	vst v0  }
0xc8: {  	[tilespmem:s15], [sflag:$0x1] =	stream.linear.gather [hbm4b:s7+s2], $0x4000, $0x38;
	[tilespmem:$0x1C200] =	vst v63  }
0xc9: {  	_ =	swait.ge [sflag:s13], $0x4000  }
0xca: {  	[sflag:s13] =	ssyncset.done $0x0  }
0xcb: {  	[sflag:s13] =	ssyncadd.s32 $0xFFFFC000  }
0xcc: {  	[tilespmem:s2], [sflag:$0x1] =	stream.linear.gather [hbm4b:s8+s2], $0x10000, $0x38;
	[tilespmem:$0x1C200] =	vst v63  }
0xcd: {  	_ =	swait.ge [sflag:s13], $0x10000  }
0xce: {  	[sflag:s13] =	ssyncset.done $0x0  }
0xcf: {  	s18 =	simm.s32 $0x14020;
	[sflag:s13] =	ssyncadd.s32 $0xFFFF0000  }
0xd0: {  	s30 =	simm.s32 $0x10020;
	v8 =	vld [tilespmem:s18+$0x10]  }
0xd1: {  	v9 =	vld [tilespmem:s30+$0x10]  }
0xd2: {  	v3 =	vld [tilespmem:s18+$0xFFFFFFE0]  }
0xd3: {  	v4 =	vld [tilespmem:s18+$0xFFFFFFF0]  }
0xd4: {  	v5 =	vld [tilespmem:s18+$0x0]  }
0xd5: {  	v2 =	vld [tilespmem:s30+$0xFFFFFFF0]  }
0xd6: {  	v7 =	vld [tilespmem:s30+$0xFFFFFFE0]  }
0xd7: {  	v6 =	vld [tilespmem:s30+$0x0];
	_ =	sdelay $0x1  }
0xd8: {  	v0 =	vmul.f32 $2.316076350e+02, v8;
	v1 =	vmul.f32 $2.316076350e+02, v9  }
0xd9: {  	v10 =	vmul.f32 $2.316076350e+02, v3;
	v11 =	vmul.f32 $2.316076350e+02, v4  }
0xda: {  	v12 =	vmul.f32 $2.316076350e+02, v5;
	v15 =	vmul.f32 $2.316076350e+02, v7;
	v0 =	vadd.f32 $1.275000000e+02, v0  }
0xdb: {  	v16 =	vmul.f32 $2.316076350e+02, v2;
	v17 =	vmul.f32 $2.316076350e+02, v6;
	v1 =	vadd.f32 $1.275000000e+02, v1  }
0xdc: {  	v11 =	vadd.f32 $1.275000000e+02, v11;
	v12 =	vadd.f32 $1.275000000e+02, v12;
	v13 =	vclamp.gez.f32 v0, $2.549974520e+02  }
0xdd: {  	v0 =	vadd.f32 $1.275000000e+02, v10;
	v1 =	vclamp.gez.f32 v1, $2.549974520e+02;
	v10 =	vtrunc.f32 v13  }
0xde: {  	v15 =	vadd.f32 $1.275000000e+02, v15;
	v14 =	vtrunc.f32 v1;
	v10 =	vcvt.f32.s32 v10  }
0xdf: {  	v16 =	vadd.f32 $1.275000000e+02, v16;
	v17 =	vadd.f32 $1.275000000e+02, v17;
	v14 =	vcvt.f32.s32 v14  }
0xe0: {  	v11 =	vclamp.gez.f32 v11, $2.549974520e+02;
	v12 =	vclamp.gez.f32 v12, $2.549974520e+02;
	v18 =	vshll.u32 v10, $0x8  }
0xe1: {  	v15 =	vclamp.gez.f32 v15, $2.549974520e+02;
	v19 =	vclamp.gez.f32 v0, $2.549974520e+02;
	v0 =	vadd.s32 v14, v18  }
0xe2: {  	v16 =	vclamp.gez.f32 v16, $2.549974520e+02;
	v20 =	vand.u32 $0x7F, v14;
	v18 =	vand.u32 $0xFFFFFF80, v0  }
0xe3: {  	v17 =	vclamp.gez.f32 v17, $2.549974520e+02;
	v22 =	vtrunc.f32 v12;
	v18 =	vor.u32 v20, v18  }
0xe4: {  	v23 =	vtrunc.f32 v15;
	v25 =	vtrunc.f32 v16;
	v18 =	vadd.s32 $0x100, v18  }
0xe5: {  	v27 =	vtrunc.f32 v17;
	v22 =	vcvt.f32.s32 v22  }
0xe6: {  	v23 =	vcvt.f32.s32 v23;
	v25 =	vcvt.f32.s32 v25  }
0xe7: {  	v27 =	vcvt.f32.s32 v27;
	v21 =	vtrunc.f32 v19  }
0xe8: {  	v21 =	vcvt.f32.s32 v21;
	v28 =	vshll.u32 v22, $0x8;
	v29 =	vand.u32 $0x7F, v23;
	v0 =	vld.idx.msk [tilespmem:v0+s2+$0x0], $0xffff  }
0xe9: {  	v34 =	vand.u32 $0x7F, v25;
	v35 =	vand.u32 $0x7F, v27;
	v20 =	vtrunc.f32 v11;
	v18 =	vld.idx.msk [tilespmem:v18+s2+$0x0], $0xffff  }
0xea: {  	v10 =	vcvt.s32.f32 v10;
	v28 =	vadd.s32 v27, v28;
	v20 =	vcvt.f32.s32 v20  }
0xeb: {  	v14 =	vcvt.s32.f32 v14;
	v24 =	vshll.u32 v21, $0x8;
	v33 =	vand.u32 $0xFFFFFF80, v28  }
0xec: {  	v10 =	vsub.f32 v13, v10;
	v24 =	vadd.s32 v23, v24;
	v26 =	vshll.u32 v20, $0x8  }
0xed: {  	v1 =	vsub.f32 v1, v14;
	v26 =	vadd.s32 v25, v26;
	v14 =	vshll.u32 v0, $0x10  }
0xee: {  	v0 =	vand.u32 $0xFFFF0000, v0;
	v32 =	vshll.u32 v18, $0x10;
	v18 =	vand.u32 $0xFFFF0000, v18  }
0xef: {  	v30 =	vand.u32 $0xFFFFFF80, v24;
	v0 =	vsub.f32 v0, v14;
	v18 =	vsub.f32 v18, v32  }
0xf0: {  	v13 =	vcvt.s32.f32 v27;
	v23 =	vcvt.s32.f32 v23;
	v29 =	vor.u32 v29, v30  }
0xf1: {  	v30 =	vor.u32 v35, v33;
	v28 =	vld.idx.msk [tilespmem:v28+s2+$0x0], $0xffff;
	v0 =	vmul.f32 v1, v0;
	v1 =	vmul.f32 v1, v18  }
0xf2: {  	v30 =	vadd.s32 $0x100, v30;
	v31 =	vand.u32 $0xFFFFFF80, v26;
	v24 =	vld.idx.msk [tilespmem:v24+s2+$0x0], $0xffff;
	v18 =	vadd.s32 $0x100, v29  }
0xf3: {  	v31 =	vor.u32 v34, v31;
	v26 =	vld.idx.msk [tilespmem:v26+s2+$0x0], $0xffff;
	v14 =	vadd.f32 v14, v0;
	v1 =	vadd.f32 v32, v1  }
0xf4: {  	v13 =	vsub.f32 v17, v13;
	v36 =	vadd.s32 $0x100, v31;
	v0 =	vld [tilespmem:$0x1C000]  }
0xf5: {  	v15 =	vsub.f32 v15, v23;
	v27 =	vsub.f32 v1, v14  }
0xf6: {  	v25 =	vcvt.s32.f32 v25;
	v38 =	vshll.u32 v28, $0x10;
	v28 =	vand.u32 $0xFFFF0000, v28;
	v1 =	vld [tilespmem:$0x1C080]  }
0xf7: {  	v23 =	vshll.u32 v24, $0x10;
	v24 =	vand.u32 $0xFFFF0000, v24;
	v18 =	vld.idx.msk [tilespmem:v18+s2+$0x0], $0xffff;
	v10 =	vmul.f32 v27, v10  }
0xf8: {  	v30 =	vld.idx.msk [tilespmem:v30+s2+$0x0], $0xffff;
	v24 =	vsub.f32 v24, v23;
	v37 =	vshll.u32 v26, $0x10;
	v26 =	vand.u32 $0xFFFF0000, v26  }
0xf9: {  	v26 =	vsub.f32 v26, v37;
	v9 =	vmul.f32 v9, v0;
	v27 =	vld.idx.msk [tilespmem:v36+s2+$0x0], $0xffff;
	v10 =	vadd.f32 v10, v14  }
0xfa: {  	v14 =	vsub.f32 v16, v25;
	v16 =	vmul.f32 v15, v24;
	v24 =	vsub.f32 v28, v38  }
0xfb: {  	v8 =	vmul.f32 v8, v1;
	v9 =	vadd.f32 v10, v9;
	v10 =	vcvt.s32.f32 v21  }
0xfc: {  	v16 =	vadd.f32 v23, v16;
	v17 =	vshll.u32 v18, $0x10;
	v18 =	vand.u32 $0xFFFF0000, v18  }
0xfd: {  	v21 =	vmul.f32 v14, v26;
	v26 =	vshll.u32 v30, $0x10;
	v18 =	vsub.f32 v18, v17  }
0xfe: {  	v23 =	vshll.u32 v27, $0x10;
	v25 =	vand.u32 $0xFFFF0000, v27;
	v27 =	vand.u32 $0xFFFF0000, v30  }
0xff: {  	v15 =	vmul.f32 v15, v18;
	v18 =	vsub.f32 v25, v23;
	v25 =	vsub.f32 v27, v26  }
0x100: {  	s31 =	simm.s32 $0x14060;
	v8 =	vadd.f32 v9, v8;
	v9 =	vadd.f32 v37, v21;
	v21 =	vmul.f32 v13, v24  }
0x101: {  	s18 =	simm.s32 $0x18020;
	v19 =	vsub.f32 v19, v10;
	v10 =	vld [tilespmem:s31+$0x10];
	v14 =	vmul.f32 v14, v18;
	v13 =	vmul.f32 v13, v25  }
0x102: {  	v15 =	vadd.f32 v17, v15;
	v17 =	vld [tilespmem:s18+$0x10];
	v18 =	vcvt.s32.f32 v20;
	v20 =	vadd.f32 v38, v21  }
0x103: {  	v21 =	vcvt.s32.f32 v22;
	v14 =	vadd.f32 v23, v14;
	v22 =	vadd.f32 v26, v13  }
0x104: {  	s19 =	simm.s32 $0x10060;
	v7 =	vmul.f32 v7, v0;
	v15 =	vsub.f32 v15, v16;
	v11 =	vsub.f32 v11, v18  }
0x105: {  	v18 =	vmul.f32 v2, v0;
	v13 =	vld [tilespmem:s19+$0x10];
	v23 =	vmul.f32 v6, v0;
	v14 =	vsub.f32 v14, v9  }
0x106: {  	v22 =	vsub.f32 v22, v20;
	v6 =	vmul.f32 v15, v19;
	v15 =	vsub.f32 v12, v21  }
0x107: {  	v2 =	vld [tilespmem:s31+$0xFFFFFFE0];
	v12 =	vadd.f32 v8, v17;
	v8 =	vmul.f32 v3, v1;
	v17 =	vmul.f32 $2.316076350e+02, v10  }
0x108: {  	v10 =	vmul.f32 v10, v1;
	v11 =	vmul.f32 v14, v11  }
0x109: {  	v3 =	vld [tilespmem:s31+$0xFFFFFFF0];
	v14 =	vmul.f32 v4, v1;
	v15 =	vmul.f32 v22, v15  }
0x10a: {  	v4 =	vld [tilespmem:s31+$0x0];
	v6 =	vadd.f32 v6, v16;
	v16 =	vmul.f32 v5, v1;
	v19 =	vmul.f32 $2.316076350e+02, v13  }
0x10b: {  	v5 =	vld [tilespmem:s19+$0xFFFFFFF0];
	v17 =	vadd.f32 $1.275000000e+02, v17;
	v13 =	vmul.f32 v13, v0;
	v9 =	vadd.f32 v11, v9  }
0x10c: {  	v7 =	vadd.f32 v6, v7;
	v15 =	vadd.f32 v15, v20;
	v20 =	vmul.f32 $2.316076350e+02, v2  }
0x10d: {  	v11 =	vld [tilespmem:s19+$0xFFFFFFE0];
	v19 =	vadd.f32 $1.275000000e+02, v19;
	v17 =	vclamp.gez.f32 v17, $2.549974520e+02;
	v18 =	vadd.f32 v9, v18  }
0x10e: {  	v6 =	vld [tilespmem:s19+$0x0];
	v9 =	vmul.f32 $2.316076350e+02, v3;
	v15 =	vadd.f32 v15, v23;
	v22 =	vtrunc.f32 v17  }
0x10f: {  	v20 =	vadd.f32 $1.275000000e+02, v20;
	v21 =	vmul.f32 $2.316076350e+02, v4;
	v19 =	vclamp.gez.f32 v19, $2.549974520e+02  }
0x110: {  	v25 =	vadd.f32 v7, v8;
	v22 =	vcvt.f32.s32 v22;
	v7 =	vmul.f32 $2.316076350e+02, v5  }
0x111: {  	v9 =	vadd.f32 $1.275000000e+02, v9;
	v23 =	vtrunc.f32 v19;
	v20 =	vclamp.gez.f32 v20, $2.549974520e+02  }
0x112: {  	v14 =	vadd.f32 v18, v14;
	v21 =	vadd.f32 $1.275000000e+02, v21;
	v24 =	vmul.f32 $2.316076350e+02, v11  }
0x113: {  	v23 =	vcvt.f32.s32 v23;
	v8 =	vmul.f32 $2.316076350e+02, v6;
	v26 =	vshll.u32 v22, $0x8  }
0x114: {  	v27 =	vld [tilespmem:s18+$0xFFFFFFE0];
	v7 =	vadd.f32 $1.275000000e+02, v7;
	v43 =	vtrunc.f32 v20;
	v22 =	vcvt.s32.f32 v22  }
0x115: {  	v9 =	vclamp.gez.f32 v9, $2.549974520e+02;
	v24 =	vadd.f32 $1.275000000e+02, v24;
	v26 =	vadd.s32 v23, v26  }
0x116: {  	v40 =	vand.u32 $0x7F, v23;
	v42 =	vadd.f32 $1.275000000e+02, v8;
	v39 =	vand.u32 $0xFFFFFF80, v26  }
0x117: {  	v41 =	vld [tilespmem:s18+$0xFFFFFFF0];
	v8 =	vclamp.gez.f32 v21, $2.549974520e+02;
	v44 =	vtrunc.f32 v9;
	v28 =	vor.u32 v40, v39  }
0x118: {  	v23 =	vcvt.s32.f32 v23;
	v45 =	vtrunc.f32 v8;
	v21 =	vadd.s32 $0x100, v28  }
0x119: {  	v25 =	vadd.f32 v25, v27;
	v27 =	vcvt.f32.s32 v44;
	v18 =	vclamp.gez.f32 v24, $2.549974520e+02  }
0x11a: {  	v24 =	vclamp.gez.f32 v7, $2.549974520e+02;
	v7 =	vadd.f32 v15, v16;
	v15 =	vcvt.f32.s32 v43  }
0x11b: {  	v16 =	vclamp.gez.f32 v42, $2.549974520e+02;
	v46 =	vcvt.f32.s32 v45  }
0x11c: {  	v14 =	vadd.f32 v14, v41;
	v47 =	vtrunc.f32 v18;
	v49 =	vtrunc.f32 v24;
	v26 =	vld.idx.msk [tilespmem:v26+s2+$0x0], $0xffff  }
0x11d: {  	v19 =	vsub.f32 v19, v23;
	v51 =	vtrunc.f32 v16;
	v29 =	vcvt.f32.s32 v47;
	v21 =	vld.idx.msk [tilespmem:v21+s2+$0x0], $0xffff  }
0x11e: {  	v48 =	vshll.u32 v15, $0x8;
	v31 =	vcvt.f32.s32 v49;
	v33 =	vcvt.f32.s32 v51  }
0x11f: {  	v50 =	vshll.u32 v27, $0x8;
	v52 =	vshll.u32 v46, $0x8;
	v30 =	vadd.s32 v29, v48  }
0x120: {  	v35 =	vand.u32 $0x7F, v29;
	v32 =	vadd.s32 v31, v50;
	v34 =	vadd.s32 v33, v52  }
0x121: {  	v39 =	vand.u32 $0x7F, v31;
	v36 =	vand.u32 $0xFFFFFF80, v30;
	v23 =	vshll.u32 v26, $0x10  }
0x122: {  	v26 =	vand.u32 $0xFFFF0000, v26;
	v38 =	vshll.u32 v21, $0x10;
	v21 =	vand.u32 $0xFFFF0000, v21  }
0x123: {  	v37 =	vand.u32 $0xFFFFFF80, v32;
	v26 =	vsub.f32 v26, v23;
	v21 =	vsub.f32 v21, v38  }
0x124: {  	v56 =	vcvt.s32.f32 v33;
	v35 =	vor.u32 v35, v36;
	v53 =	vor.u32 v39, v37  }
0x125: {  	v35 =	vadd.s32 $0x100, v35;
	v30 =	vld.idx.msk [tilespmem:v30+s2+$0x0], $0xffff;
	v26 =	vmul.f32 v19, v26;
	v19 =	vmul.f32 v19, v21  }
0x126: {  	v54 =	vand.u32 $0xFFFFFF80, v34;
	v36 =	vadd.s32 $0x100, v53;
	v32 =	vld.idx.msk [tilespmem:v32+s2+$0x0], $0xffff;
	v21 =	vand.u32 $0x7F, v33  }
0x127: {  	v34 =	vld.idx.msk [tilespmem:v34+s2+$0x0], $0xffff;
	v23 =	vadd.f32 v23, v26;
	v21 =	vor.u32 v21, v54;
	v19 =	vadd.f32 v38, v19  }
0x128: {  	v17 =	vsub.f32 v17, v22;
	v26 =	vcvt.s32.f32 v29;
	v21 =	vadd.s32 $0x100, v21  }
0x129: {  	v55 =	vcvt.s32.f32 v31;
	v16 =	vsub.f32 v16, v56;
	v19 =	vsub.f32 v19, v23  }
0x12a: {  	v57 =	vld.idx.msk [tilespmem:v35+s2+$0x0], $0xffff;
	v22 =	vshll.u32 v30, $0x10;
	v18 =	vsub.f32 v18, v26;
	v26 =	vand.u32 $0xFFFF0000, v30  }
0x12b: {  	v58 =	vshll.u32 v32, $0x10;
	v17 =	vmul.f32 v19, v17;
	v19 =	vsub.f32 v26, v22;
	v26 =	vld.idx.msk [tilespmem:v36+s2+$0x0], $0xffff  }
0x12c: {  	v32 =	vand.u32 $0xFFFF0000, v32;
	v59 =	vshll.u32 v34, $0x10;
	v34 =	vand.u32 $0xFFFF0000, v34  }
0x12d: {  	v32 =	vsub.f32 v32, v58;
	v21 =	vld.idx.msk [tilespmem:v21+s2+$0x0], $0xffff;
	v17 =	vadd.f32 v17, v23;
	v19 =	vmul.f32 v18, v19  }
0x12e: {  	s20 =	simm.s32 $0x18060;
	v61 =	vcvt.s32.f32 v15;
	v23 =	vsub.f32 v24, v55;
	v24 =	vsub.f32 v34, v59  }
0x12f: {  	v60 =	vld [tilespmem:s20+$0x10];
	v15 =	vand.u32 $0xFFFF0000, v57;
	v13 =	vadd.f32 v17, v13;
	v17 =	vadd.f32 v22, v19  }
0x130: {  	v19 =	vmul.f32 v23, v32;
	v22 =	vshll.u32 v57, $0x10;
	v62 =	vshll.u32 v26, $0x10  }
0x131: {  	v10 =	vadd.f32 v13, v10;
	v13 =	vsub.f32 v15, v22;
	v15 =	vand.u32 $0xFFFF0000, v26  }
0x132: {  	v26 =	vshll.u32 v21, $0x10;
	v21 =	vand.u32 $0xFFFF0000, v21;
	v19 =	vadd.f32 v58, v19  }
0x133: {  	[tilespmem:s18+$0x10] =	vst v12;
	v12 =	vmul.f32 v16, v24;
	v63 =	vsub.f32 v15, v62;
	v21 =	vsub.f32 v21, v26  }
0x134: {  	[tilespmem:s18+$0xFFFFFFF0] =	vst v14;
	v14 =	vld [tilespmem:s20+$0xFFFFFFF0];
	v15 =	vcvt.s32.f32 v27;
	v29 =	vadd.f32 v10, v60;
	v18 =	vmul.f32 v18, v13  }
0x135: {  	v10 =	vld [tilespmem:s18+$0x0];
	v23 =	vmul.f32 v23, v63;
	v24 =	vmul.f32 v16, v21;
	v21 =	vsub.f32 v20, v61  }
0x136: {  	[tilespmem:s18+$0xFFFFFFE0] =	vst v25;
	v20 =	vcvt.s32.f32 v46;
	v16 =	vadd.f32 v59, v12;
	v22 =	vadd.f32 v22, v18;
	v18 =	vld [tilespmem:s20+$0x0]  }
0x137: {  	s21 =	simm.s32 $0x4;
	s22 =	simm.s32 $0x140A0;
	v13 =	vld [tilespmem:s20+$0xFFFFFFE0];
	v12 =	vmul.f32 v11, v0;
	[tilespmem:s20+$0x10] =	vst v29;
	v23 =	vadd.f32 v62, v23;
	v24 =	vadd.f32 v26, v24  }
.LBB2_4:
0x138: {  	v11 =	vld [tilespmem:s22+$0x10];
	s21 =	sadd.s32 $0x4, s21;
	v22 =	vsub.f32 v22, v17;
	v9 =	vsub.f32 v9, v15;
	v25 =	vmul.f32 v5, v0;
	s19 =	sadd.s32 $0x40, s19  }
0x139: {  	v15 =	vld [tilespmem:s19+$0x10];
	p0 =	slt.u32 s21, $0x3FC;
	v5 =	vsub.f32 v23, v19;
	v23 =	vsub.f32 v24, v16;
	v24 =	vmul.f32 v6, v0  }
0x13a: {  	v8 =	vsub.f32 v8, v20;
	v6 =	vmul.f32 v22, v21;
	v21 =	vmul.f32 v2, v1;
	v2 =	vld [tilespmem:s22+$0xFFFFFFE0]  }
0x13b: {  	v20 =	vmul.f32 v3, v1;
	v7 =	vadd.f32 v7, v10;
	v10 =	vmovc v18;
	v9 =	vmul.f32 v5, v9;
	v3 =	vld [tilespmem:s22+$0xFFFFFFF0]  }
0x13c: {  	v18 =	vmul.f32 v4, v1;
	v8 =	vmul.f32 v23, v8;
	v17 =	vadd.f32 v6, v17;
	v4 =	vld [tilespmem:s22+$0x0]  }
0x13d: {  	v5 =	vld [tilespmem:s19+$0xFFFFFFF0];
	v22 =	vmul.f32 $2.316076350e+02, v11;
	v9 =	vadd.f32 v9, v19;
	[tilespmem:s18+$0x0] =	vst v7;
	s18 =	smov.u32 s20  }
0x13e: {  	v8 =	vadd.f32 v8, v16;
	v6 =	vld [tilespmem:s19+$0x0];
	v7 =	vmul.f32 $2.316076350e+02, v15;
	v17 =	vadd.f32 v17, v12  }
0x13f: {  	v12 =	vld [tilespmem:s19+$0xFFFFFFE0];
	v16 =	vmul.f32 $2.316076350e+02, v2;
	v19 =	vadd.f32 $1.275000000e+02, v22;
	v22 =	vadd.f32 v9, v25  }
0x140: {  	v23 =	vadd.f32 v8, v24;
	v9 =	vmul.f32 $2.316076350e+02, v3;
	v7 =	vadd.f32 $1.275000000e+02, v7  }
0x141: {  	v8 =	vadd.f32 $1.275000000e+02, v16;
	v16 =	vmul.f32 $2.316076350e+02, v4;
	v19 =	vclamp.gez.f32 v19, $2.549974520e+02  }
0x142: {  	v9 =	vadd.f32 $1.275000000e+02, v9;
	v24 =	vclamp.gez.f32 v7, $2.549974520e+02;
	v7 =	vtrunc.f32 v19  }
0x143: {  	v25 =	vadd.f32 $1.275000000e+02, v16;
	v16 =	vtrunc.f32 v24;
	v26 =	vcvt.f32.s32 v7  }
0x144: {  	v17 =	vadd.f32 v17, v21;
	v7 =	vmul.f32 $2.316076350e+02, v12;
	v27 =	vcvt.f32.s32 v16  }
0x145: {  	v21 =	vmul.f32 $2.316076350e+02, v5;
	v28 =	vmul.f32 $2.316076350e+02, v6;
	v29 =	vshll.u32 v26, $0x8  }
0x146: {  	v16 =	vclamp.gez.f32 v8, $2.549974520e+02;
	v7 =	vadd.f32 $1.275000000e+02, v7;
	v29 =	vadd.s32 v27, v29  }
0x147: {  	v21 =	vadd.f32 $1.275000000e+02, v21;
	v30 =	vand.u32 $0x7F, v27;
	v8 =	vand.u32 $0xFFFFFF80, v29  }
0x148: {  	v9 =	vclamp.gez.f32 v9, $2.549974520e+02;
	v28 =	vadd.f32 $1.275000000e+02, v28;
	v30 =	vor.u32 v30, v8  }
0x149: {  	v31 =	vtrunc.f32 v16;
	v8 =	vclamp.gez.f32 v25, $2.549974520e+02;
	v25 =	vadd.s32 $0x100, v30  }
0x14a: {  	v20 =	vadd.f32 v22, v20;
	v30 =	vtrunc.f32 v9;
	v32 =	vtrunc.f32 v8  }
0x14b: {  	v21 =	vclamp.gez.f32 v21, $2.549974520e+02;
	v22 =	vclamp.gez.f32 v7, $2.549974520e+02;
	v7 =	vadd.f32 v23, v18  }
0x14c: {  	v13 =	vadd.f32 v17, v13;
	v18 =	vcvt.f32.s32 v31;
	v23 =	vclamp.gez.f32 v28, $2.549974520e+02  }
0x14d: {  	v14 =	vadd.f32 v20, v14;
	v28 =	vcvt.f32.s32 v30;
	v30 =	vcvt.f32.s32 v32;
	v17 =	vld.idx.msk [tilespmem:v29+s2+$0x0], $0xffff  }
0x14e: {  	v31 =	vtrunc.f32 v21;
	v20 =	vtrunc.f32 v22;
	v29 =	vshll.u32 v18, $0x8;
	v25 =	vld.idx.msk [tilespmem:v25+s2+$0x0], $0xffff;
	[tilespmem:s20+$0xFFFFFFE0] =	vst v13  }
0x14f: {  	v32 =	vtrunc.f32 v23;
	v13 =	vcvt.f32.s32 v20;
	v20 =	vshll.u32 v28, $0x8;
	[tilespmem:s20+$0xFFFFFFF0] =	vst v14  }
0x150: {  	v14 =	vcvt.f32.s32 v31;
	v31 =	vcvt.f32.s32 v32;
	v32 =	vshll.u32 v30, $0x8  }
0x151: {  	v27 =	vcvt.s32.f32 v27;
	v29 =	vadd.s32 v13, v29;
	v33 =	vand.u32 $0x7F, v13  }
0x152: {  	v34 =	vand.u32 $0xFFFFFF80, v29;
	v20 =	vadd.s32 v14, v20;
	v32 =	vadd.s32 v31, v32  }
0x153: {  	v24 =	vsub.f32 v24, v27;
	v35 =	vand.u32 $0xFFFFFF80, v20;
	v27 =	vshll.u32 v17, $0x10  }
0x154: {  	v17 =	vand.u32 $0xFFFF0000, v17;
	v36 =	vshll.u32 v25, $0x10;
	v25 =	vand.u32 $0xFFFF0000, v25  }
0x155: {  	v37 =	vand.u32 $0xFFFFFF80, v32;
	v17 =	vsub.f32 v17, v27;
	v25 =	vsub.f32 v25, v36  }
0x156: {  	v38 =	vand.u32 $0x7F, v31;
	v33 =	vor.u32 v33, v34;
	v34 =	vand.u32 $0x7F, v14;
	v29 =	vld.idx.msk [tilespmem:v29+s2+$0x0], $0xffff  }
0x157: {  	v34 =	vor.u32 v34, v35;
	v17 =	vmul.f32 v24, v17;
	v24 =	vmul.f32 v24, v25;
	v20 =	vld.idx.msk [tilespmem:v20+s2+$0x0], $0xffff  }
0x158: {  	v25 =	vadd.s32 $0x100, v33;
	v33 =	vadd.s32 $0x100, v34;
	v34 =	vor.u32 v38, v37;
	v32 =	vld.idx.msk [tilespmem:v32+s2+$0x0], $0xffff  }
0x159: {  	v26 =	vcvt.s32.f32 v26;
	v17 =	vadd.f32 v27, v17;
	v24 =	vadd.f32 v36, v24  }
0x15a: {  	v13 =	vcvt.s32.f32 v13;
	v14 =	vcvt.s32.f32 v14;
	v27 =	vadd.s32 $0x100, v34  }
0x15b: {  	v19 =	vsub.f32 v19, v26;
	v31 =	vcvt.s32.f32 v31;
	v24 =	vsub.f32 v24, v17  }
0x15c: {  	v22 =	vsub.f32 v22, v13;
	v26 =	vshll.u32 v29, $0x10;
	v13 =	vand.u32 $0xFFFF0000, v29  }
0x15d: {  	v29 =	vshll.u32 v20, $0x10;
	v20 =	vand.u32 $0xFFFF0000, v20;
	v19 =	vmul.f32 v24, v19;
	v25 =	vld.idx.msk [tilespmem:v25+s2+$0x0], $0xffff  }
0x15e: {  	v13 =	vsub.f32 v13, v26;
	v24 =	vld.idx.msk [tilespmem:v33+s2+$0x0], $0xffff;
	v33 =	vshll.u32 v32, $0x10;
	v32 =	vand.u32 $0xFFFF0000, v32  }
0x15f: {  	v15 =	vmul.f32 v15, v0;
	s20 =	sadd.s32 $0x40, s20;
	v20 =	vsub.f32 v20, v29;
	v17 =	vadd.f32 v19, v17;
	v27 =	vld.idx.msk [tilespmem:v27+s2+$0x0], $0xffff  }
0x160: {  	v21 =	vsub.f32 v21, v14;
	v19 =	vmul.f32 v22, v13;
	v32 =	vsub.f32 v32, v33;
	v34 =	vld [tilespmem:s20+$0x10]  }
0x161: {  	v11 =	vmul.f32 v11, v1;
	v23 =	vsub.f32 v23, v31;
	v15 =	vadd.f32 v17, v15;
	v13 =	vld [tilespmem:s20+$0xFFFFFFE0]  }
0x162: {  	v31 =	vcvt.s32.f32 v18;
	v17 =	vadd.f32 v26, v19;
	v19 =	vmul.f32 v21, v20;
	v14 =	vld [tilespmem:s20+$0xFFFFFFF0]  }
0x163: {  	v20 =	vshll.u32 v25, $0x10;
	v25 =	vand.u32 $0xFFFF0000, v25;
	v11 =	vadd.f32 v15, v11;
	v18 =	vld [tilespmem:s20+$0x0]  }
0x164: {  	v15 =	vsub.f32 v25, v20;
	v25 =	vshll.u32 v24, $0x10;
	v24 =	vand.u32 $0xFFFF0000, v24  }
0x165: {  	v26 =	vshll.u32 v27, $0x10;
	v27 =	vand.u32 $0xFFFF0000, v27;
	v11 =	vadd.f32 v11, v34  }
.Ltmp1:
0x166: {  	v24 =	vsub.f32 v24, v25;
	v22 =	vmul.f32 v22, v15;
	v27 =	vsub.f32 v27, v26;
	(pc) =	sbr.rel @p0 .LBB2_4-.Ltmp1, $4  }
0x167: {  	v19 =	vadd.f32 v29, v19;
	v15 =	vcvt.s32.f32 v28;
	v28 =	vmul.f32 v23, v32;
	[tilespmem:s20+$0x10] =	vst v11  }
0x168: {  	v22 =	vadd.f32 v20, v22;
	v11 =	vmul.f32 v21, v24;
	v24 =	vmul.f32 v23, v27  }
0x169: {  	v21 =	vsub.f32 v16, v31;
	v20 =	vcvt.s32.f32 v30;
	v16 =	vadd.f32 v33, v28  }
0x16a: {  	s22 =	sadd.s32 $0x40, s22;
	v12 =	vmul.f32 v12, v0;
	v23 =	vadd.f32 v25, v11;
	v24 =	vadd.f32 v26, v24  }
0x16b: {  	v11 =	vsub.f32 v22, v17  }
0x16c: {  	v9 =	vsub.f32 v9, v15;
	v15 =	vsub.f32 v23, v19  }
0x16d: {  	v8 =	vsub.f32 v8, v20;
	v22 =	vsub.f32 v24, v16;
	v11 =	vmul.f32 v11, v21  }
0x16e: {  	v9 =	vmul.f32 v15, v9  }
0x16f: {  	v8 =	vmul.f32 v22, v8;
	v11 =	vadd.f32 v11, v17  }
0x170: {  	v5 =	vmul.f32 v5, v0;
	v0 =	vmul.f32 v6, v0;
	v6 =	vadd.f32 v9, v19  }
0x171: {  	v2 =	vmul.f32 v2, v1;
	v8 =	vadd.f32 v8, v16;
	v9 =	vadd.f32 v11, v12  }
0x172: {  	v3 =	vmul.f32 v3, v1;
	v5 =	vadd.f32 v6, v5  }
0x173: {  	v1 =	vmul.f32 v4, v1;
	v0 =	vadd.f32 v8, v0;
	v2 =	vadd.f32 v9, v2  }
0x174: {  	v4 =	vadd.f32 v7, v10;
	v3 =	vadd.f32 v5, v3  }
0x175: {  	v0 =	vadd.f32 v0, v1;
	v1 =	vadd.f32 v2, v13  }
0x176: {  	[tilespmem:s18+$0x0] =	vst v4;
	v2 =	vadd.f32 v3, v14  }
0x177: {  	v0 =	vadd.f32 v0, v18;
	[tilespmem:s20+$0xFFFFFFE0] =	vst v1  }
0x178: {  	[tilespmem:s20+$0xFFFFFFF0] =	vst v2  }
0x179: {  	[tilespmem:s20+$0x0] =	vst v0  }
0x17a: {  	[tilespmem:s14], [sflag:$0x1] =	stream.linear.gather [hbm4b:s5+s2], $0x4000, $0x38;
	[tilespmem:$0x1C200] =	vst v63  }
0x17b: {  	_ =	swait.ge [sflag:s13], $0x4000  }
0x17c: {  	[sflag:s13] =	ssyncset.done $0x0  }
0x17d: {  	[sflag:s13] =	ssyncadd.s32 $0xFFFFC000  }
0x17e: {  	[tilespmem:s2], [sflag:$0x1] =	stream.linear.gather [hbm4b:s9+s2], $0x10000, $0x38;
	[tilespmem:$0x1C200] =	vst v63  }
0x17f: {  	_ =	swait.ge [sflag:s13], $0x10000  }
0x180: {  	[sflag:s13] =	ssyncset.done $0x0  }
0x181: {  	s30 =	simm.s32 $0x10020;
	[sflag:s13] =	ssyncadd.s32 $0xFFFF0000  }
0x182: {  	s19 =	simm.s32 $0x14020;
	v8 =	vld [tilespmem:s30+$0x10]  }
0x183: {  	v9 =	vld [tilespmem:s19+$0x10]  }
0x184: {  	v3 =	vld [tilespmem:s30+$0xFFFFFFE0]  }
0x185: {  	v4 =	vld [tilespmem:s30+$0xFFFFFFF0]  }
0x186: {  	v5 =	vld [tilespmem:s30+$0x0]  }
0x187: {  	v2 =	vld [tilespmem:s19+$0xFFFFFFF0]  }
0x188: {  	v7 =	vld [tilespmem:s19+$0xFFFFFFE0]  }
0x189: {  	v6 =	vld [tilespmem:s19+$0x0];
	_ =	sdelay $0x1  }
0x18a: {  	v0 =	vmul.f32 $2.316076350e+02, v8;
	v1 =	vmul.f32 $2.316076350e+02, v9  }
0x18b: {  	v10 =	vmul.f32 $2.316076350e+02, v3;
	v11 =	vmul.f32 $2.316076350e+02, v4  }
0x18c: {  	v12 =	vmul.f32 $2.316076350e+02, v5;
	v15 =	vmul.f32 $2.316076350e+02, v7;
	v0 =	vadd.f32 $1.275000000e+02, v0  }
0x18d: {  	v16 =	vmul.f32 $2.316076350e+02, v2;
	v17 =	vmul.f32 $2.316076350e+02, v6;
	v1 =	vadd.f32 $1.275000000e+02, v1  }
0x18e: {  	v11 =	vadd.f32 $1.275000000e+02, v11;
	v12 =	vadd.f32 $1.275000000e+02, v12;
	v13 =	vclamp.gez.f32 v0, $2.549974520e+02  }
0x18f: {  	v0 =	vadd.f32 $1.275000000e+02, v10;
	v1 =	vclamp.gez.f32 v1, $2.549974520e+02;
	v10 =	vtrunc.f32 v13  }
0x190: {  	v15 =	vadd.f32 $1.275000000e+02, v15;
	v14 =	vtrunc.f32 v1;
	v10 =	vcvt.f32.s32 v10  }
0x191: {  	v16 =	vadd.f32 $1.275000000e+02, v16;
	v17 =	vadd.f32 $1.275000000e+02, v17;
	v14 =	vcvt.f32.s32 v14  }
0x192: {  	v11 =	vclamp.gez.f32 v11, $2.549974520e+02;
	v12 =	vclamp.gez.f32 v12, $2.549974520e+02;
	v18 =	vshll.u32 v10, $0x8  }
0x193: {  	v15 =	vclamp.gez.f32 v15, $2.549974520e+02;
	v19 =	vclamp.gez.f32 v0, $2.549974520e+02;
	v0 =	vadd.s32 v14, v18  }
0x194: {  	v16 =	vclamp.gez.f32 v16, $2.549974520e+02;
	v20 =	vand.u32 $0x7F, v14;
	v18 =	vand.u32 $0xFFFFFF80, v0  }
0x195: {  	v17 =	vclamp.gez.f32 v17, $2.549974520e+02;
	v22 =	vtrunc.f32 v12;
	v18 =	vor.u32 v20, v18  }
0x196: {  	v23 =	vtrunc.f32 v15;
	v25 =	vtrunc.f32 v16;
	v18 =	vadd.s32 $0x100, v18  }
0x197: {  	v27 =	vtrunc.f32 v17;
	v22 =	vcvt.f32.s32 v22  }
0x198: {  	v23 =	vcvt.f32.s32 v23;
	v25 =	vcvt.f32.s32 v25  }
0x199: {  	v27 =	vcvt.f32.s32 v27;
	v21 =	vtrunc.f32 v19  }
0x19a: {  	v21 =	vcvt.f32.s32 v21;
	v28 =	vshll.u32 v22, $0x8;
	v29 =	vand.u32 $0x7F, v23;
	v0 =	vld.idx.msk [tilespmem:v0+s2+$0x0], $0xffff  }
0x19b: {  	v34 =	vand.u32 $0x7F, v25;
	v35 =	vand.u32 $0x7F, v27;
	v20 =	vtrunc.f32 v11;
	v18 =	vld.idx.msk [tilespmem:v18+s2+$0x0], $0xffff  }
0x19c: {  	v10 =	vcvt.s32.f32 v10;
	v28 =	vadd.s32 v27, v28;
	v20 =	vcvt.f32.s32 v20  }
0x19d: {  	v14 =	vcvt.s32.f32 v14;
	v24 =	vshll.u32 v21, $0x8;
	v33 =	vand.u32 $0xFFFFFF80, v28  }
0x19e: {  	v10 =	vsub.f32 v13, v10;
	v24 =	vadd.s32 v23, v24;
	v26 =	vshll.u32 v20, $0x8  }
0x19f: {  	v1 =	vsub.f32 v1, v14;
	v26 =	vadd.s32 v25, v26;
	v14 =	vshll.u32 v0, $0x10  }
0x1a0: {  	v0 =	vand.u32 $0xFFFF0000, v0;
	v32 =	vshll.u32 v18, $0x10;
	v18 =	vand.u32 $0xFFFF0000, v18  }
0x1a1: {  	v30 =	vand.u32 $0xFFFFFF80, v24;
	v0 =	vsub.f32 v0, v14;
	v18 =	vsub.f32 v18, v32  }
0x1a2: {  	v13 =	vcvt.s32.f32 v27;
	v23 =	vcvt.s32.f32 v23;
	v29 =	vor.u32 v29, v30  }
0x1a3: {  	v30 =	vor.u32 v35, v33;
	v28 =	vld.idx.msk [tilespmem:v28+s2+$0x0], $0xffff;
	v0 =	vmul.f32 v1, v0;
	v1 =	vmul.f32 v1, v18  }
0x1a4: {  	v30 =	vadd.s32 $0x100, v30;
	v31 =	vand.u32 $0xFFFFFF80, v26;
	v24 =	vld.idx.msk [tilespmem:v24+s2+$0x0], $0xffff;
	v18 =	vadd.s32 $0x100, v29  }
0x1a5: {  	v31 =	vor.u32 v34, v31;
	v26 =	vld.idx.msk [tilespmem:v26+s2+$0x0], $0xffff;
	v14 =	vadd.f32 v14, v0;
	v1 =	vadd.f32 v32, v1  }
0x1a6: {  	v13 =	vsub.f32 v17, v13;
	v36 =	vadd.s32 $0x100, v31;
	v0 =	vld [tilespmem:$0x1C080]  }
0x1a7: {  	v15 =	vsub.f32 v15, v23;
	v27 =	vsub.f32 v1, v14  }
0x1a8: {  	v25 =	vcvt.s32.f32 v25;
	v38 =	vshll.u32 v28, $0x10;
	v28 =	vand.u32 $0xFFFF0000, v28;
	v1 =	vld [tilespmem:$0x1C100]  }
0x1a9: {  	v23 =	vshll.u32 v24, $0x10;
	v24 =	vand.u32 $0xFFFF0000, v24;
	v18 =	vld.idx.msk [tilespmem:v18+s2+$0x0], $0xffff;
	v10 =	vmul.f32 v27, v10  }
0x1aa: {  	v30 =	vld.idx.msk [tilespmem:v30+s2+$0x0], $0xffff;
	v24 =	vsub.f32 v24, v23;
	v37 =	vshll.u32 v26, $0x10;
	v26 =	vand.u32 $0xFFFF0000, v26  }
0x1ab: {  	v26 =	vsub.f32 v26, v37;
	v9 =	vmul.f32 v9, v0;
	v27 =	vld.idx.msk [tilespmem:v36+s2+$0x0], $0xffff;
	v10 =	vadd.f32 v10, v14  }
0x1ac: {  	v14 =	vsub.f32 v16, v25;
	v16 =	vmul.f32 v15, v24;
	v24 =	vsub.f32 v28, v38  }
0x1ad: {  	v8 =	vmul.f32 v8, v1;
	v9 =	vadd.f32 v10, v9;
	v10 =	vcvt.s32.f32 v21  }
0x1ae: {  	v16 =	vadd.f32 v23, v16;
	v17 =	vshll.u32 v18, $0x10;
	v18 =	vand.u32 $0xFFFF0000, v18  }
0x1af: {  	v21 =	vmul.f32 v14, v26;
	v26 =	vshll.u32 v30, $0x10;
	v18 =	vsub.f32 v18, v17  }
0x1b0: {  	v23 =	vshll.u32 v27, $0x10;
	v25 =	vand.u32 $0xFFFF0000, v27;
	v27 =	vand.u32 $0xFFFF0000, v30  }
0x1b1: {  	v15 =	vmul.f32 v15, v18;
	v18 =	vsub.f32 v25, v23;
	v25 =	vsub.f32 v27, v26  }
0x1b2: {  	s31 =	simm.s32 $0x10060;
	v8 =	vadd.f32 v9, v8;
	v9 =	vadd.f32 v37, v21;
	v21 =	vmul.f32 v13, v24  }
0x1b3: {  	s18 =	simm.s32 $0x18020;
	v19 =	vsub.f32 v19, v10;
	v10 =	vld [tilespmem:s31+$0x10];
	v14 =	vmul.f32 v14, v18;
	v13 =	vmul.f32 v13, v25  }
0x1b4: {  	v15 =	vadd.f32 v17, v15;
	v17 =	vld [tilespmem:s18+$0x10];
	v18 =	vcvt.s32.f32 v20;
	v20 =	vadd.f32 v38, v21  }
0x1b5: {  	v21 =	vcvt.s32.f32 v22;
	v14 =	vadd.f32 v23, v14;
	v22 =	vadd.f32 v26, v13  }
0x1b6: {  	s19 =	simm.s32 $0x14060;
	v7 =	vmul.f32 v7, v0;
	v15 =	vsub.f32 v15, v16;
	v11 =	vsub.f32 v11, v18  }
0x1b7: {  	v18 =	vmul.f32 v2, v0;
	v13 =	vld [tilespmem:s19+$0x10];
	v23 =	vmul.f32 v6, v0;
	v14 =	vsub.f32 v14, v9  }
0x1b8: {  	v22 =	vsub.f32 v22, v20;
	v6 =	vmul.f32 v15, v19;
	v15 =	vsub.f32 v12, v21  }
0x1b9: {  	v2 =	vld [tilespmem:s31+$0xFFFFFFE0];
	v12 =	vadd.f32 v8, v17;
	v8 =	vmul.f32 v3, v1;
	v17 =	vmul.f32 $2.316076350e+02, v10  }
0x1ba: {  	v10 =	vmul.f32 v10, v1;
	v11 =	vmul.f32 v14, v11  }
0x1bb: {  	v3 =	vld [tilespmem:s31+$0xFFFFFFF0];
	v14 =	vmul.f32 v4, v1;
	v15 =	vmul.f32 v22, v15  }
0x1bc: {  	v4 =	vld [tilespmem:s31+$0x0];
	v6 =	vadd.f32 v6, v16;
	v16 =	vmul.f32 v5, v1;
	v19 =	vmul.f32 $2.316076350e+02, v13  }
0x1bd: {  	v5 =	vld [tilespmem:s19+$0xFFFFFFF0];
	v17 =	vadd.f32 $1.275000000e+02, v17;
	v13 =	vmul.f32 v13, v0;
	v9 =	vadd.f32 v11, v9  }
0x1be: {  	v7 =	vadd.f32 v6, v7;
	v15 =	vadd.f32 v15, v20;
	v20 =	vmul.f32 $2.316076350e+02, v2  }
0x1bf: {  	v11 =	vld [tilespmem:s19+$0xFFFFFFE0];
	v19 =	vadd.f32 $1.275000000e+02, v19;
	v17 =	vclamp.gez.f32 v17, $2.549974520e+02;
	v18 =	vadd.f32 v9, v18  }
0x1c0: {  	v6 =	vld [tilespmem:s19+$0x0];
	v9 =	vmul.f32 $2.316076350e+02, v3;
	v15 =	vadd.f32 v15, v23;
	v22 =	vtrunc.f32 v17  }
0x1c1: {  	v20 =	vadd.f32 $1.275000000e+02, v20;
	v21 =	vmul.f32 $2.316076350e+02, v4;
	v19 =	vclamp.gez.f32 v19, $2.549974520e+02  }
0x1c2: {  	v25 =	vadd.f32 v7, v8;
	v22 =	vcvt.f32.s32 v22;
	v7 =	vmul.f32 $2.316076350e+02, v5  }
0x1c3: {  	v9 =	vadd.f32 $1.275000000e+02, v9;
	v23 =	vtrunc.f32 v19;
	v20 =	vclamp.gez.f32 v20, $2.549974520e+02  }
0x1c4: {  	v14 =	vadd.f32 v18, v14;
	v21 =	vadd.f32 $1.275000000e+02, v21;
	v24 =	vmul.f32 $2.316076350e+02, v11  }
0x1c5: {  	v23 =	vcvt.f32.s32 v23;
	v8 =	vmul.f32 $2.316076350e+02, v6;
	v26 =	vshll.u32 v22, $0x8  }
0x1c6: {  	v27 =	vld [tilespmem:s18+$0xFFFFFFE0];
	v7 =	vadd.f32 $1.275000000e+02, v7;
	v43 =	vtrunc.f32 v20;
	v22 =	vcvt.s32.f32 v22  }
0x1c7: {  	v9 =	vclamp.gez.f32 v9, $2.549974520e+02;
	v24 =	vadd.f32 $1.275000000e+02, v24;
	v26 =	vadd.s32 v23, v26  }
0x1c8: {  	v40 =	vand.u32 $0x7F, v23;
	v42 =	vadd.f32 $1.275000000e+02, v8;
	v39 =	vand.u32 $0xFFFFFF80, v26  }
0x1c9: {  	v41 =	vld [tilespmem:s18+$0xFFFFFFF0];
	v8 =	vclamp.gez.f32 v21, $2.549974520e+02;
	v44 =	vtrunc.f32 v9;
	v28 =	vor.u32 v40, v39  }
0x1ca: {  	v23 =	vcvt.s32.f32 v23;
	v45 =	vtrunc.f32 v8;
	v21 =	vadd.s32 $0x100, v28  }
0x1cb: {  	v25 =	vadd.f32 v25, v27;
	v27 =	vcvt.f32.s32 v44;
	v18 =	vclamp.gez.f32 v24, $2.549974520e+02  }
0x1cc: {  	v24 =	vclamp.gez.f32 v7, $2.549974520e+02;
	v7 =	vadd.f32 v15, v16;
	v15 =	vcvt.f32.s32 v43  }
0x1cd: {  	v16 =	vclamp.gez.f32 v42, $2.549974520e+02;
	v46 =	vcvt.f32.s32 v45  }
0x1ce: {  	v14 =	vadd.f32 v14, v41;
	v47 =	vtrunc.f32 v18;
	v49 =	vtrunc.f32 v24;
	v26 =	vld.idx.msk [tilespmem:v26+s2+$0x0], $0xffff  }
0x1cf: {  	v19 =	vsub.f32 v19, v23;
	v51 =	vtrunc.f32 v16;
	v29 =	vcvt.f32.s32 v47;
	v21 =	vld.idx.msk [tilespmem:v21+s2+$0x0], $0xffff  }
0x1d0: {  	v48 =	vshll.u32 v15, $0x8;
	v31 =	vcvt.f32.s32 v49;
	v33 =	vcvt.f32.s32 v51  }
0x1d1: {  	v50 =	vshll.u32 v27, $0x8;
	v52 =	vshll.u32 v46, $0x8;
	v30 =	vadd.s32 v29, v48  }
0x1d2: {  	v35 =	vand.u32 $0x7F, v29;
	v32 =	vadd.s32 v31, v50;
	v34 =	vadd.s32 v33, v52  }
0x1d3: {  	v39 =	vand.u32 $0x7F, v31;
	v36 =	vand.u32 $0xFFFFFF80, v30;
	v23 =	vshll.u32 v26, $0x10  }
0x1d4: {  	v26 =	vand.u32 $0xFFFF0000, v26;
	v38 =	vshll.u32 v21, $0x10;
	v21 =	vand.u32 $0xFFFF0000, v21  }
0x1d5: {  	v37 =	vand.u32 $0xFFFFFF80, v32;
	v26 =	vsub.f32 v26, v23;
	v21 =	vsub.f32 v21, v38  }
0x1d6: {  	v56 =	vcvt.s32.f32 v33;
	v35 =	vor.u32 v35, v36;
	v53 =	vor.u32 v39, v37  }
0x1d7: {  	v35 =	vadd.s32 $0x100, v35;
	v30 =	vld.idx.msk [tilespmem:v30+s2+$0x0], $0xffff;
	v26 =	vmul.f32 v19, v26;
	v19 =	vmul.f32 v19, v21  }
0x1d8: {  	v54 =	vand.u32 $0xFFFFFF80, v34;
	v36 =	vadd.s32 $0x100, v53;
	v32 =	vld.idx.msk [tilespmem:v32+s2+$0x0], $0xffff;
	v21 =	vand.u32 $0x7F, v33  }
0x1d9: {  	v34 =	vld.idx.msk [tilespmem:v34+s2+$0x0], $0xffff;
	v23 =	vadd.f32 v23, v26;
	v21 =	vor.u32 v21, v54;
	v19 =	vadd.f32 v38, v19  }
0x1da: {  	v17 =	vsub.f32 v17, v22;
	v26 =	vcvt.s32.f32 v29;
	v21 =	vadd.s32 $0x100, v21  }
0x1db: {  	v55 =	vcvt.s32.f32 v31;
	v16 =	vsub.f32 v16, v56;
	v19 =	vsub.f32 v19, v23  }
0x1dc: {  	v57 =	vld.idx.msk [tilespmem:v35+s2+$0x0], $0xffff;
	v22 =	vshll.u32 v30, $0x10;
	v18 =	vsub.f32 v18, v26;
	v26 =	vand.u32 $0xFFFF0000, v30  }
0x1dd: {  	v58 =	vshll.u32 v32, $0x10;
	v17 =	vmul.f32 v19, v17;
	v19 =	vsub.f32 v26, v22;
	v26 =	vld.idx.msk [tilespmem:v36+s2+$0x0], $0xffff  }
0x1de: {  	v32 =	vand.u32 $0xFFFF0000, v32;
	v59 =	vshll.u32 v34, $0x10;
	v34 =	vand.u32 $0xFFFF0000, v34  }
0x1df: {  	v32 =	vsub.f32 v32, v58;
	v21 =	vld.idx.msk [tilespmem:v21+s2+$0x0], $0xffff;
	v17 =	vadd.f32 v17, v23;
	v19 =	vmul.f32 v18, v19  }
0x1e0: {  	s20 =	simm.s32 $0x18060;
	v61 =	vcvt.s32.f32 v15;
	v23 =	vsub.f32 v24, v55;
	v24 =	vsub.f32 v34, v59  }
0x1e1: {  	v60 =	vld [tilespmem:s20+$0x10];
	v15 =	vand.u32 $0xFFFF0000, v57;
	v13 =	vadd.f32 v17, v13;
	v17 =	vadd.f32 v22, v19  }
0x1e2: {  	v19 =	vmul.f32 v23, v32;
	v22 =	vshll.u32 v57, $0x10;
	v62 =	vshll.u32 v26, $0x10  }
0x1e3: {  	v10 =	vadd.f32 v13, v10;
	v13 =	vsub.f32 v15, v22;
	v15 =	vand.u32 $0xFFFF0000, v26  }
0x1e4: {  	v26 =	vshll.u32 v21, $0x10;
	v21 =	vand.u32 $0xFFFF0000, v21;
	v19 =	vadd.f32 v58, v19  }
0x1e5: {  	[tilespmem:s18+$0x10] =	vst v12;
	v12 =	vmul.f32 v16, v24;
	v63 =	vsub.f32 v15, v62;
	v21 =	vsub.f32 v21, v26  }
0x1e6: {  	[tilespmem:s18+$0xFFFFFFF0] =	vst v14;
	v14 =	vld [tilespmem:s20+$0xFFFFFFF0];
	v15 =	vcvt.s32.f32 v27;
	v29 =	vadd.f32 v10, v60;
	v18 =	vmul.f32 v18, v13  }
0x1e7: {  	v10 =	vld [tilespmem:s18+$0x0];
	v23 =	vmul.f32 v23, v63;
	v24 =	vmul.f32 v16, v21;
	v21 =	vsub.f32 v20, v61  }
0x1e8: {  	[tilespmem:s18+$0xFFFFFFE0] =	vst v25;
	v20 =	vcvt.s32.f32 v46;
	v16 =	vadd.f32 v59, v12;
	v22 =	vadd.f32 v22, v18;
	v18 =	vld [tilespmem:s20+$0x0]  }
0x1e9: {  	s21 =	simm.s32 $0x4;
	s22 =	simm.s32 $0x100A0;
	v13 =	vld [tilespmem:s20+$0xFFFFFFE0];
	v12 =	vmul.f32 v11, v0;
	[tilespmem:s20+$0x10] =	vst v29;
	v23 =	vadd.f32 v62, v23;
	v24 =	vadd.f32 v26, v24  }
.LBB2_6:
0x1ea: {  	v11 =	vld [tilespmem:s22+$0x10];
	s21 =	sadd.s32 $0x4, s21;
	v22 =	vsub.f32 v22, v17;
	v9 =	vsub.f32 v9, v15;
	v25 =	vmul.f32 v5, v0;
	s19 =	sadd.s32 $0x40, s19  }
0x1eb: {  	v15 =	vld [tilespmem:s19+$0x10];
	p0 =	slt.u32 s21, $0x3FC;
	v5 =	vsub.f32 v23, v19;
	v23 =	vsub.f32 v24, v16;
	v24 =	vmul.f32 v6, v0  }
0x1ec: {  	v8 =	vsub.f32 v8, v20;
	v6 =	vmul.f32 v22, v21;
	v21 =	vmul.f32 v2, v1;
	v2 =	vld [tilespmem:s22+$0xFFFFFFE0]  }
0x1ed: {  	v20 =	vmul.f32 v3, v1;
	v7 =	vadd.f32 v7, v10;
	v10 =	vmovc v18;
	v9 =	vmul.f32 v5, v9;
	v3 =	vld [tilespmem:s22+$0xFFFFFFF0]  }
0x1ee: {  	v18 =	vmul.f32 v4, v1;
	v8 =	vmul.f32 v23, v8;
	v17 =	vadd.f32 v6, v17;
	v4 =	vld [tilespmem:s22+$0x0]  }
0x1ef: {  	v5 =	vld [tilespmem:s19+$0xFFFFFFF0];
	v22 =	vmul.f32 $2.316076350e+02, v11;
	v9 =	vadd.f32 v9, v19;
	[tilespmem:s18+$0x0] =	vst v7;
	s18 =	smov.u32 s20  }
0x1f0: {  	v8 =	vadd.f32 v8, v16;
	v6 =	vld [tilespmem:s19+$0x0];
	v7 =	vmul.f32 $2.316076350e+02, v15;
	v17 =	vadd.f32 v17, v12  }
0x1f1: {  	v12 =	vld [tilespmem:s19+$0xFFFFFFE0];
	v16 =	vmul.f32 $2.316076350e+02, v2;
	v19 =	vadd.f32 $1.275000000e+02, v22;
	v22 =	vadd.f32 v9, v25  }
0x1f2: {  	v23 =	vadd.f32 v8, v24;
	v9 =	vmul.f32 $2.316076350e+02, v3;
	v7 =	vadd.f32 $1.275000000e+02, v7  }
0x1f3: {  	v8 =	vadd.f32 $1.275000000e+02, v16;
	v16 =	vmul.f32 $2.316076350e+02, v4;
	v19 =	vclamp.gez.f32 v19, $2.549974520e+02  }
0x1f4: {  	v9 =	vadd.f32 $1.275000000e+02, v9;
	v24 =	vclamp.gez.f32 v7, $2.549974520e+02;
	v7 =	vtrunc.f32 v19  }
0x1f5: {  	v25 =	vadd.f32 $1.275000000e+02, v16;
	v16 =	vtrunc.f32 v24;
	v26 =	vcvt.f32.s32 v7  }
0x1f6: {  	v17 =	vadd.f32 v17, v21;
	v7 =	vmul.f32 $2.316076350e+02, v12;
	v27 =	vcvt.f32.s32 v16  }
0x1f7: {  	v21 =	vmul.f32 $2.316076350e+02, v5;
	v28 =	vmul.f32 $2.316076350e+02, v6;
	v29 =	vshll.u32 v26, $0x8  }
0x1f8: {  	v16 =	vclamp.gez.f32 v8, $2.549974520e+02;
	v7 =	vadd.f32 $1.275000000e+02, v7;
	v29 =	vadd.s32 v27, v29  }
0x1f9: {  	v21 =	vadd.f32 $1.275000000e+02, v21;
	v30 =	vand.u32 $0x7F, v27;
	v8 =	vand.u32 $0xFFFFFF80, v29  }
0x1fa: {  	v9 =	vclamp.gez.f32 v9, $2.549974520e+02;
	v28 =	vadd.f32 $1.275000000e+02, v28;
	v30 =	vor.u32 v30, v8  }
0x1fb: {  	v31 =	vtrunc.f32 v16;
	v8 =	vclamp.gez.f32 v25, $2.549974520e+02;
	v25 =	vadd.s32 $0x100, v30  }
0x1fc: {  	v20 =	vadd.f32 v22, v20;
	v30 =	vtrunc.f32 v9;
	v32 =	vtrunc.f32 v8  }
0x1fd: {  	v21 =	vclamp.gez.f32 v21, $2.549974520e+02;
	v22 =	vclamp.gez.f32 v7, $2.549974520e+02;
	v7 =	vadd.f32 v23, v18  }
0x1fe: {  	v13 =	vadd.f32 v17, v13;
	v18 =	vcvt.f32.s32 v31;
	v23 =	vclamp.gez.f32 v28, $2.549974520e+02  }
0x1ff: {  	v14 =	vadd.f32 v20, v14;
	v28 =	vcvt.f32.s32 v30;
	v30 =	vcvt.f32.s32 v32;
	v17 =	vld.idx.msk [tilespmem:v29+s2+$0x0], $0xffff  }
0x200: {  	v31 =	vtrunc.f32 v21;
	v20 =	vtrunc.f32 v22;
	v29 =	vshll.u32 v18, $0x8;
	v25 =	vld.idx.msk [tilespmem:v25+s2+$0x0], $0xffff;
	[tilespmem:s20+$0xFFFFFFE0] =	vst v13  }
0x201: {  	v32 =	vtrunc.f32 v23;
	v13 =	vcvt.f32.s32 v20;
	v20 =	vshll.u32 v28, $0x8;
	[tilespmem:s20+$0xFFFFFFF0] =	vst v14  }
0x202: {  	v14 =	vcvt.f32.s32 v31;
	v31 =	vcvt.f32.s32 v32;
	v32 =	vshll.u32 v30, $0x8  }
0x203: {  	v27 =	vcvt.s32.f32 v27;
	v29 =	vadd.s32 v13, v29;
	v33 =	vand.u32 $0x7F, v13  }
0x204: {  	v34 =	vand.u32 $0xFFFFFF80, v29;
	v20 =	vadd.s32 v14, v20;
	v32 =	vadd.s32 v31, v32  }
0x205: {  	v24 =	vsub.f32 v24, v27;
	v35 =	vand.u32 $0xFFFFFF80, v20;
	v27 =	vshll.u32 v17, $0x10  }
0x206: {  	v17 =	vand.u32 $0xFFFF0000, v17;
	v36 =	vshll.u32 v25, $0x10;
	v25 =	vand.u32 $0xFFFF0000, v25  }
0x207: {  	v37 =	vand.u32 $0xFFFFFF80, v32;
	v17 =	vsub.f32 v17, v27;
	v25 =	vsub.f32 v25, v36  }
0x208: {  	v38 =	vand.u32 $0x7F, v31;
	v33 =	vor.u32 v33, v34;
	v34 =	vand.u32 $0x7F, v14;
	v29 =	vld.idx.msk [tilespmem:v29+s2+$0x0], $0xffff  }
0x209: {  	v34 =	vor.u32 v34, v35;
	v17 =	vmul.f32 v24, v17;
	v24 =	vmul.f32 v24, v25;
	v20 =	vld.idx.msk [tilespmem:v20+s2+$0x0], $0xffff  }
0x20a: {  	v25 =	vadd.s32 $0x100, v33;
	v33 =	vadd.s32 $0x100, v34;
	v34 =	vor.u32 v38, v37;
	v32 =	vld.idx.msk [tilespmem:v32+s2+$0x0], $0xffff  }
0x20b: {  	v26 =	vcvt.s32.f32 v26;
	v17 =	vadd.f32 v27, v17;
	v24 =	vadd.f32 v36, v24  }
0x20c: {  	v13 =	vcvt.s32.f32 v13;
	v14 =	vcvt.s32.f32 v14;
	v27 =	vadd.s32 $0x100, v34  }
0x20d: {  	v19 =	vsub.f32 v19, v26;
	v31 =	vcvt.s32.f32 v31;
	v24 =	vsub.f32 v24, v17  }
0x20e: {  	v22 =	vsub.f32 v22, v13;
	v26 =	vshll.u32 v29, $0x10;
	v13 =	vand.u32 $0xFFFF0000, v29  }
0x20f: {  	v29 =	vshll.u32 v20, $0x10;
	v20 =	vand.u32 $0xFFFF0000, v20;
	v19 =	vmul.f32 v24, v19;
	v25 =	vld.idx.msk [tilespmem:v25+s2+$0x0], $0xffff  }
0x210: {  	v13 =	vsub.f32 v13, v26;
	v24 =	vld.idx.msk [tilespmem:v33+s2+$0x0], $0xffff;
	v33 =	vshll.u32 v32, $0x10;
	v32 =	vand.u32 $0xFFFF0000, v32  }
0x211: {  	v15 =	vmul.f32 v15, v0;
	s20 =	sadd.s32 $0x40, s20;
	v20 =	vsub.f32 v20, v29;
	v17 =	vadd.f32 v19, v17;
	v27 =	vld.idx.msk [tilespmem:v27+s2+$0x0], $0xffff  }
0x212: {  	v21 =	vsub.f32 v21, v14;
	v19 =	vmul.f32 v22, v13;
	v32 =	vsub.f32 v32, v33;
	v34 =	vld [tilespmem:s20+$0x10]  }
0x213: {  	v11 =	vmul.f32 v11, v1;
	v23 =	vsub.f32 v23, v31;
	v15 =	vadd.f32 v17, v15;
	v13 =	vld [tilespmem:s20+$0xFFFFFFE0]  }
0x214: {  	v31 =	vcvt.s32.f32 v18;
	v17 =	vadd.f32 v26, v19;
	v19 =	vmul.f32 v21, v20;
	v14 =	vld [tilespmem:s20+$0xFFFFFFF0]  }
0x215: {  	v20 =	vshll.u32 v25, $0x10;
	v25 =	vand.u32 $0xFFFF0000, v25;
	v11 =	vadd.f32 v15, v11;
	v18 =	vld [tilespmem:s20+$0x0]  }
0x216: {  	v15 =	vsub.f32 v25, v20;
	v25 =	vshll.u32 v24, $0x10;
	v24 =	vand.u32 $0xFFFF0000, v24  }
0x217: {  	v26 =	vshll.u32 v27, $0x10;
	v27 =	vand.u32 $0xFFFF0000, v27;
	v11 =	vadd.f32 v11, v34  }
.Ltmp2:
0x218: {  	v24 =	vsub.f32 v24, v25;
	v22 =	vmul.f32 v22, v15;
	v27 =	vsub.f32 v27, v26;
	(pc) =	sbr.rel @p0 .LBB2_6-.Ltmp2, $4  }
0x219: {  	v19 =	vadd.f32 v29, v19;
	v15 =	vcvt.s32.f32 v28;
	v28 =	vmul.f32 v23, v32;
	[tilespmem:s20+$0x10] =	vst v11  }
0x21a: {  	v22 =	vadd.f32 v20, v22;
	v11 =	vmul.f32 v21, v24;
	v24 =	vmul.f32 v23, v27  }
0x21b: {  	v21 =	vsub.f32 v16, v31;
	v20 =	vcvt.s32.f32 v30;
	v16 =	vadd.f32 v33, v28  }
0x21c: {  	s22 =	sadd.s32 $0x40, s22;
	v12 =	vmul.f32 v12, v0;
	v23 =	vadd.f32 v25, v11;
	v24 =	vadd.f32 v26, v24  }
0x21d: {  	v11 =	vsub.f32 v22, v17  }
0x21e: {  	v9 =	vsub.f32 v9, v15;
	v55 =	vsub.f32 v23, v19  }
0x21f: {  	v8 =	vsub.f32 v8, v20;
	v56 =	vsub.f32 v24, v16;
	v11 =	vmul.f32 v11, v21  }
0x220: {  	v9 =	vmul.f32 v55, v9  }
0x221: {  	v8 =	vmul.f32 v56, v8;
	v11 =	vadd.f32 v11, v17  }
0x222: {  	v5 =	vmul.f32 v5, v0;
	v57 =	vmul.f32 v6, v0;
	v58 =	vadd.f32 v9, v19  }
0x223: {  	v2 =	vmul.f32 v2, v1;
	v8 =	vadd.f32 v8, v16;
	v59 =	vadd.f32 v11, v12  }
0x224: {  	v3 =	vmul.f32 v3, v1;
	v5 =	vadd.f32 v58, v5  }
0x225: {  	v60 =	vmul.f32 v4, v1;
	v0 =	vadd.f32 v8, v57;
	v2 =	vadd.f32 v59, v2  }
0x226: {  	v61 =	vadd.f32 v7, v10;
	v3 =	vadd.f32 v5, v3  }
0x227: {  	v0 =	vadd.f32 v0, v60;
	v62 =	vadd.f32 v2, v13  }
0x228: {  	[tilespmem:s18+$0x0] =	vst v61;
	v63 =	vadd.f32 v3, v14  }
0x229: {  	s17 =	sadd.s32 $0x1, s17;
	v0 =	vadd.f32 v0, v18;
	[tilespmem:s20+$0xFFFFFFE0] =	vst v62  }
0x22a: {  	p0 =	sne.s32 s17, s11;
	[tilespmem:s20+$0xFFFFFFF0] =	vst v63  }
.Ltmp3:
0x22b: {  	[tilespmem:s20+$0x0] =	vst v0;
	(pc) =	sbr.rel @p0 .LBB2_1-.Ltmp3, $4  }
0x22c: {  	[hbm4b:s10+s2] =	stream.linear.scatter [tilespmem:s16], [sflag:$0x1], $0x4000, $0x38;
	[tilespmem:$0x1C200] =	vst v63  }
0x22d: {  	_ =	swait.ge [sflag:s13], $0x4000  }
0x22e: {  	[sflag:s13] =	ssyncset.done $0x0  }
0x22f: {  	[sflag:s13] =	ssyncadd.s32 $0xFFFFC000  }
0x230: {  	_ =	sfence.sel $0x180000  }
0x231: {  	[bflag:$0x0] =	sbarrier.arrive $0xFFFF  }
0x232: {  	p0 =	sne.s32 s1, $0x0;
	_ =	strace $0x90000047  }
0x233: {  	s0 =	sadd.s32 @!p0 $0x100000, s0;
	[bflag:$0x2] =	sbarrier.arrive $0xFFFF  }
0x234: {  	[sflag:s0] =	ssyncadd.tile.s32 @!p0 $0x1;
	_ =	shalt  }
.Lfunc_end2:
_tile_overlayer_lowered:
.L_overlay_start_2:
0x235: {  	(tag) =	ssettag $0x2  }
0x236: {  	s0 =	rddreg [dreg:$0x0];
	s2 =	stileid.u32  }
0x237: {  	s1 =	rddreg [dreg:$0x1];
	p0 =	sne.s32 s2, $0x0  }
0x238: {  	s3 =	rddreg [dreg:$0x2];
	[bflag:$0x3] =	sbarrier.arrive $0xFFFF;
	s2 =	simm.s32 @!p0 $0x1C01  }
0x239: {  	[timem:s3], [sflag:s2] =	dma.local @!p0 [hbm:s0], s1  }
0x23a: {  	s0 =	simm.s32 @!p0 $0x1  }
0x23b: {  	_ =	swait.ge @!p0 [sflag:s0], s1  }
0x23c: {  	s1 =	ssub.s32 @!p0 $0x0, s1;
	[sflag:s0] =	ssyncset.done @!p0 $0x0  }
0x23d: {  	[sflag:s0] =	ssyncadd.s32 @!p0 s1  }
0x23e: {  	[bflag:$0x3] =	sbarrier.arrive $0xFFFF  }
0x23f: {  	_ =	shalt  }

</sc_bundles>
